<compile_context>
chip_gen: v7x
topology: tpu7x:2x2x1
jax: 0.10.2.dev20260603
libtpu: 0.0.44.dev20260713+nightly
codegen_flags: <defaults>
</compile_context>

<pallas_src>
import functools

import jax
import jax.numpy as jnp
from jax import lax
from jax.experimental import pallas as pl
from jax.experimental.pallas import tpu as pltpu
from jax.experimental.pallas import tpu_sc as plsc

_BATCH = 4096
_HIST = 50
_DIM = 128
_NC = 2
_NS = 16
_NW = _NC * _NS
_B_PW = _BATCH // _NW
_CPH = 2
_CROWS = _B_PW // _CPH
_NCHUNK = _HIST * _CPH
_NBUF = 10

_mesh = plsc.VectorSubcoreMesh(core_axis_name="c", subcore_axis_name="s")


@functools.partial(
    pl.kernel,
    mesh=_mesh,
    out_type=jax.ShapeDtypeStruct((_HIST, _BATCH, _DIM), jnp.float32),
    scratch_types=[
        pltpu.VMEM((_HIST, _B_PW), jnp.int32),
    ]
    + [pltpu.VMEM((_CROWS, _DIM), jnp.float32) for _ in range(_NBUF)]
    + [pltpu.SemaphoreType.DMA for _ in range(2 * _NBUF)],
)
def _gather(xt_hbm, table_hbm, out_hbm, idx_v, *bufs_and_sems):
    rows = bufs_and_sems[:_NBUF]
    gsem = bufs_and_sems[_NBUF:2 * _NBUF]
    ssem = bufs_and_sems[2 * _NBUF:]
    wid = lax.axis_index("s") * _NC + lax.axis_index("c")
    obase = wid * _B_PW
    pltpu.sync_copy(xt_hbm.at[:, pl.ds(obase, _B_PW)], idx_v)

    def start_gather(c, b):
        idx = idx_v.at[c // _CPH, pl.ds((c % _CPH) * _CROWS, _CROWS)]
        pltpu.make_async_copy(table_hbm.at[idx], rows[b], gsem[b]).start()

    def wait_gather(b):
        idx = idx_v.at[0, pl.ds(0, _CROWS)]
        pltpu.make_async_copy(table_hbm.at[idx], rows[b], gsem[b]).wait()

    def start_store(c, b):
        dst = out_hbm.at[c // _CPH, pl.ds(obase + (c % _CPH) * _CROWS, _CROWS)]
        pltpu.make_async_copy(rows[b], dst, ssem[b]).start()

    def wait_store(b):
        dst = out_hbm.at[0, pl.ds(obase, _CROWS)]
        pltpu.make_async_copy(rows[b], dst, ssem[b]).wait()

    for b in range(_NBUF):
        start_gather(b, b)

    def outer(t, carry):
        for b in range(_NBUF):
            wait_gather(b)
            start_store(t * _NBUF + b, b)

        @pl.when(t < _NCHUNK // _NBUF - 1)
        def _():
            for b in range(_NBUF):
                wait_store(b)
                start_gather((t + 1) * _NBUF + b, b)

        return carry

    lax.fori_loop(0, _NCHUNK // _NBUF, outer, 0)

    for b in range(_NBUF):
        wait_store(b)


def kernel(x, table):
    out_hmajor = _gather(x.astype(jnp.int32).T, table)
    return out_hmajor.transpose(1, 0, 2)

# --- scband reference (transcript-rebuilt; emitter-appended) ---
"""Pipeline reference for scband-token-embed-67448166416998 (READ-ONLY COPY).

The authoritative reference and input builder live on the scoring server;
editing this copy changes nothing except your own understanding.
"""

import jax, jax.numpy as jnp
import numpy as np

NUM_EMBED = 100000
EMBED_DIM = 128
BATCH = 4096
HIST = 50

def setup_inputs(seed: int = 0) -> dict:
    key = jax.random.key(seed)
    k_idx, k_tab = jax.random.split(key)
    x = jax.random.randint(k_idx, (BATCH, HIST), 0, NUM_EMBED, dtype=jnp.int64 if jax.config.jax_enable_x64 else jnp.int32)
    table = jax.random.normal(k_tab, (NUM_EMBED, EMBED_DIM), dtype=jnp.float32) * 0.02
    return {"x": x, "table": table}

def reference(x, table):
    # nn.Embedding forward: gather rows of the embedding table
    return jnp.take(table, x, axis=0)

if __name__ == "__main__":
    import jax
    _d = setup_inputs()
    print(jax.jit(kernel)(*tuple(_d.values())))

</pallas_src>

<mosaic_0001>
#map = affine_map<(d0, d1) -> (0, 0)>
#map1 = affine_map<(d0, d1) -> (0, 0, 0)>
module attributes {stable_mosaic.version = 14 : i64} {
  func.func @_gather(%arg0: i32, %arg1: i32, %arg2: memref<50x4096xi32, #tpu.memory_space<hbm>>, %arg3: memref<100000x128xf32, #tpu.memory_space<hbm>>, %arg4: memref<50x4096x128xf32, #tpu.memory_space<hbm>>, %arg5: memref<50x128xi32, #tpu.memory_space<vmem>>, %arg6: memref<64x128xf32, #tpu.memory_space<vmem>>, %arg7: memref<64x128xf32, #tpu.memory_space<vmem>>, %arg8: memref<64x128xf32, #tpu.memory_space<vmem>>, %arg9: memref<64x128xf32, #tpu.memory_space<vmem>>, %arg10: memref<64x128xf32, #tpu.memory_space<vmem>>, %arg11: memref<64x128xf32, #tpu.memory_space<vmem>>, %arg12: memref<64x128xf32, #tpu.memory_space<vmem>>, %arg13: memref<64x128xf32, #tpu.memory_space<vmem>>, %arg14: memref<64x128xf32, #tpu.memory_space<vmem>>, %arg15: memref<64x128xf32, #tpu.memory_space<vmem>>, %arg16: memref<!tpu.dma_semaphore, #tpu.memory_space<semaphore_mem>>, %arg17: memref<!tpu.dma_semaphore, #tpu.memory_space<semaphore_mem>>, %arg18: memref<!tpu.dma_semaphore, #tpu.memory_space<semaphore_mem>>, %arg19: memref<!tpu.dma_semaphore, #tpu.memory_space<semaphore_mem>>, %arg20: memref<!tpu.dma_semaphore, #tpu.memory_space<semaphore_mem>>, %arg21: memref<!tpu.dma_semaphore, #tpu.memory_space<semaphore_mem>>, %arg22: memref<!tpu.dma_semaphore, #tpu.memory_space<semaphore_mem>>, %arg23: memref<!tpu.dma_semaphore, #tpu.memory_space<semaphore_mem>>, %arg24: memref<!tpu.dma_semaphore, #tpu.memory_space<semaphore_mem>>, %arg25: memref<!tpu.dma_semaphore, #tpu.memory_space<semaphore_mem>>, %arg26: memref<!tpu.dma_semaphore, #tpu.memory_space<semaphore_mem>>, %arg27: memref<!tpu.dma_semaphore, #tpu.memory_space<semaphore_mem>>, %arg28: memref<!tpu.dma_semaphore, #tpu.memory_space<semaphore_mem>>, %arg29: memref<!tpu.dma_semaphore, #tpu.memory_space<semaphore_mem>>, %arg30: memref<!tpu.dma_semaphore, #tpu.memory_space<semaphore_mem>>, %arg31: memref<!tpu.dma_semaphore, #tpu.memory_space<semaphore_mem>>, %arg32: memref<!tpu.dma_semaphore, #tpu.memory_space<semaphore_mem>>, %arg33: memref<!tpu.dma_semaphore, #tpu.memory_space<semaphore_mem>>, %arg34: memref<!tpu.dma_semaphore, #tpu.memory_space<semaphore_mem>>, %arg35: memref<!tpu.dma_semaphore, #tpu.memory_space<semaphore_mem>>) attributes {dimension_semantics = [#tpu.dimension_semantics<core_parallel>, #tpu.dimension_semantics<subcore_parallel>], iteration_bounds = array<i64: 2, 16>, scalar_prefetch = 0 : i64, scratch_operands = 31 : i64, tpu.core_type = #tpu.core_type<sc_vector_subcore>, window_params = [{transform_indices = #map}, {transform_indices = #map}, {transform_indices = #map1}]} {
    %mul3A = arith.constant 2 : i32
    %mul3A_0 = arith.muli %arg1, %mul3A : i32
    %add3A = arith.addi %mul3A_0, %arg0 : i32
    %mul3A_1 = arith.constant 128 : i32
    %mul3A_2 = arith.muli %add3A, %mul3A_1 : i32
    "tpu.region"() ({
      %run_scoped3A = tpu.sem_alloc : memref<!tpu.dma_semaphore, #tpu.memory_space<semaphore_mem>>
      %dma_start3A_146 = arith.constant 0 : i32
      %dma_start3A_147 = tpu.memref_slice %arg2[%dma_start3A_146, %mul3A_2] : memref<50x4096xi32, #tpu.memory_space<hbm>> -> memref<50x128xi32, #tpu.memory_space<hbm>>
      %dma_start3A_148 = arith.constant 0 : i32
      %dma_start3A_149 = tpu.memref_slice %arg2[%dma_start3A_148, %mul3A_2] : memref<50x4096xi32, #tpu.memory_space<hbm>> -> memref<50x128xi32, #tpu.memory_space<hbm>>
      tpu.enqueue_dma source(%dma_start3A_149 : memref<50x128xi32, #tpu.memory_space<hbm>>) target(%arg5 : memref<50x128xi32, #tpu.memory_space<vmem>>) target_semaphore(%run_scoped3A : memref<!tpu.dma_semaphore, #tpu.memory_space<semaphore_mem>>)
      %dma_wait3A_150 = arith.constant 0 : i32
      %dma_wait3A_151 = tpu.memref_slice %arg2[%dma_wait3A_150, %mul3A_2] : memref<50x4096xi32, #tpu.memory_space<hbm>> -> memref<50x128xi32, #tpu.memory_space<hbm>>
      %dma_wait3A_152 = arith.constant 0 : i32
      %dma_wait3A_153 = tpu.memref_slice %arg2[%dma_wait3A_152, %mul3A_2] : memref<50x4096xi32, #tpu.memory_space<hbm>> -> memref<50x128xi32, #tpu.memory_space<hbm>>
      tpu.wait_dma2 semaphore(%run_scoped3A : memref<!tpu.dma_semaphore, #tpu.memory_space<semaphore_mem>>) src(%dma_wait3A_153 : memref<50x128xi32, #tpu.memory_space<hbm>>) dst(%arg5 : memref<50x128xi32, #tpu.memory_space<vmem>>)
      tpu.yield
    }) : () -> ()
    %dma_start3A = arith.constant 0 : i32
    %dma_start3A_3 = arith.constant 0 : i32
    %dma_start3A_4 = tpu.memref_slice %arg5[%dma_start3A, %dma_start3A_3] : memref<50x128xi32, #tpu.memory_space<vmem>> -> memref<1x64xi32, #tpu.memory_space<vmem>>
    %dma_start3A_5 = tpu.memref_squeeze %dma_start3A_4 : memref<1x64xi32, #tpu.memory_space<vmem>> -> memref<64xi32, #tpu.memory_space<vmem>>
    %dma_start3A_6 = arith.constant 0 : i32
    %dma_start3A_7 = arith.constant 0 : i32
    %dma_start3A_8 = tpu.memref_slice %arg3[%dma_start3A_6, %dma_start3A_7] : memref<100000x128xf32, #tpu.memory_space<hbm>> -> memref<100000x128xf32, #tpu.memory_space<hbm>>
    tpu.enqueue_indirect_dma source(%dma_start3A_8 : memref<100000x128xf32, #tpu.memory_space<hbm>>) target(%arg6 : memref<64x128xf32, #tpu.memory_space<vmem>>) offsets(%dma_start3A_5 : memref<64xi32, #tpu.memory_space<vmem>>) semaphore(%arg16 : memref<!tpu.dma_semaphore, #tpu.memory_space<semaphore_mem>>)
    %dma_start3A_9 = arith.constant 0 : i32
    %dma_start3A_10 = arith.constant 64 : i32
    %dma_start3A_11 = tpu.memref_slice %arg5[%dma_start3A_9, %dma_start3A_10] : memref<50x128xi32, #tpu.memory_space<vmem>> -> memref<1x64xi32, #tpu.memory_space<vmem>>
    %dma_start3A_12 = tpu.memref_squeeze %dma_start3A_11 : memref<1x64xi32, #tpu.memory_space<vmem>> -> memref<64xi32, #tpu.memory_space<vmem>>
    %dma_start3A_13 = arith.constant 0 : i32
    %dma_start3A_14 = arith.constant 0 : i32
    %dma_start3A_15 = tpu.memref_slice %arg3[%dma_start3A_13, %dma_start3A_14] : memref<100000x128xf32, #tpu.memory_space<hbm>> -> memref<100000x128xf32, #tpu.memory_space<hbm>>
    tpu.enqueue_indirect_dma source(%dma_start3A_15 : memref<100000x128xf32, #tpu.memory_space<hbm>>) target(%arg7 : memref<64x128xf32, #tpu.memory_space<vmem>>) offsets(%dma_start3A_12 : memref<64xi32, #tpu.memory_space<vmem>>) semaphore(%arg17 : memref<!tpu.dma_semaphore, #tpu.memory_space<semaphore_mem>>)
    %dma_start3A_16 = arith.constant 1 : i32
    %dma_start3A_17 = arith.constant 0 : i32
    %dma_start3A_18 = tpu.memref_slice %arg5[%dma_start3A_16, %dma_start3A_17] : memref<50x128xi32, #tpu.memory_space<vmem>> -> memref<1x64xi32, #tpu.memory_space<vmem>>
    %dma_start3A_19 = tpu.memref_squeeze %dma_start3A_18 : memref<1x64xi32, #tpu.memory_space<vmem>> -> memref<64xi32, #tpu.memory_space<vmem>>
    %dma_start3A_20 = arith.constant 0 : i32
    %dma_start3A_21 = arith.constant 0 : i32
    %dma_start3A_22 = tpu.memref_slice %arg3[%dma_start3A_20, %dma_start3A_21] : memref<100000x128xf32, #tpu.memory_space<hbm>> -> memref<100000x128xf32, #tpu.memory_space<hbm>>
    tpu.enqueue_indirect_dma source(%dma_start3A_22 : memref<100000x128xf32, #tpu.memory_space<hbm>>) target(%arg8 : memref<64x128xf32, #tpu.memory_space<vmem>>) offsets(%dma_start3A_19 : memref<64xi32, #tpu.memory_space<vmem>>) semaphore(%arg18 : memref<!tpu.dma_semaphore, #tpu.memory_space<semaphore_mem>>)
    %dma_start3A_23 = arith.constant 1 : i32
    %dma_start3A_24 = arith.constant 64 : i32
    %dma_start3A_25 = tpu.memref_slice %arg5[%dma_start3A_23, %dma_start3A_24] : memref<50x128xi32, #tpu.memory_space<vmem>> -> memref<1x64xi32, #tpu.memory_space<vmem>>
    %dma_start3A_26 = tpu.memref_squeeze %dma_start3A_25 : memref<1x64xi32, #tpu.memory_space<vmem>> -> memref<64xi32, #tpu.memory_space<vmem>>
    %dma_start3A_27 = arith.constant 0 : i32
    %dma_start3A_28 = arith.constant 0 : i32
    %dma_start3A_29 = tpu.memref_slice %arg3[%dma_start3A_27, %dma_start3A_28] : memref<100000x128xf32, #tpu.memory_space<hbm>> -> memref<100000x128xf32, #tpu.memory_space<hbm>>
    tpu.enqueue_indirect_dma source(%dma_start3A_29 : memref<100000x128xf32, #tpu.memory_space<hbm>>) target(%arg9 : memref<64x128xf32, #tpu.memory_space<vmem>>) offsets(%dma_start3A_26 : memref<64xi32, #tpu.memory_space<vmem>>) semaphore(%arg19 : memref<!tpu.dma_semaphore, #tpu.memory_space<semaphore_mem>>)
    %dma_start3A_30 = arith.constant 2 : i32
    %dma_start3A_31 = arith.constant 0 : i32
    %dma_start3A_32 = tpu.memref_slice %arg5[%dma_start3A_30, %dma_start3A_31] : memref<50x128xi32, #tpu.memory_space<vmem>> -> memref<1x64xi32, #tpu.memory_space<vmem>>
    %dma_start3A_33 = tpu.memref_squeeze %dma_start3A_32 : memref<1x64xi32, #tpu.memory_space<vmem>> -> memref<64xi32, #tpu.memory_space<vmem>>
    %dma_start3A_34 = arith.constant 0 : i32
    %dma_start3A_35 = arith.constant 0 : i32
    %dma_start3A_36 = tpu.memref_slice %arg3[%dma_start3A_34, %dma_start3A_35] : memref<100000x128xf32, #tpu.memory_space<hbm>> -> memref<100000x128xf32, #tpu.memory_space<hbm>>
    tpu.enqueue_indirect_dma source(%dma_start3A_36 : memref<100000x128xf32, #tpu.memory_space<hbm>>) target(%arg10 : memref<64x128xf32, #tpu.memory_space<vmem>>) offsets(%dma_start3A_33 : memref<64xi32, #tpu.memory_space<vmem>>) semaphore(%arg20 : memref<!tpu.dma_semaphore, #tpu.memory_space<semaphore_mem>>)
    %dma_start3A_37 = arith.constant 2 : i32
    %dma_start3A_38 = arith.constant 64 : i32
    %dma_start3A_39 = tpu.memref_slice %arg5[%dma_start3A_37, %dma_start3A_38] : memref<50x128xi32, #tpu.memory_space<vmem>> -> memref<1x64xi32, #tpu.memory_space<vmem>>
    %dma_start3A_40 = tpu.memref_squeeze %dma_start3A_39 : memref<1x64xi32, #tpu.memory_space<vmem>> -> memref<64xi32, #tpu.memory_space<vmem>>
    %dma_start3A_41 = arith.constant 0 : i32
    %dma_start3A_42 = arith.constant 0 : i32
    %dma_start3A_43 = tpu.memref_slice %arg3[%dma_start3A_41, %dma_start3A_42] : memref<100000x128xf32, #tpu.memory_space<hbm>> -> memref<100000x128xf32, #tpu.memory_space<hbm>>
    tpu.enqueue_indirect_dma source(%dma_start3A_43 : memref<100000x128xf32, #tpu.memory_space<hbm>>) target(%arg11 : memref<64x128xf32, #tpu.memory_space<vmem>>) offsets(%dma_start3A_40 : memref<64xi32, #tpu.memory_space<vmem>>) semaphore(%arg21 : memref<!tpu.dma_semaphore, #tpu.memory_space<semaphore_mem>>)
    %dma_start3A_44 = arith.constant 3 : i32
    %dma_start3A_45 = arith.constant 0 : i32
    %dma_start3A_46 = tpu.memref_slice %arg5[%dma_start3A_44, %dma_start3A_45] : memref<50x128xi32, #tpu.memory_space<vmem>> -> memref<1x64xi32, #tpu.memory_space<vmem>>
    %dma_start3A_47 = tpu.memref_squeeze %dma_start3A_46 : memref<1x64xi32, #tpu.memory_space<vmem>> -> memref<64xi32, #tpu.memory_space<vmem>>
    %dma_start3A_48 = arith.constant 0 : i32
    %dma_start3A_49 = arith.constant 0 : i32
    %dma_start3A_50 = tpu.memref_slice %arg3[%dma_start3A_48, %dma_start3A_49] : memref<100000x128xf32, #tpu.memory_space<hbm>> -> memref<100000x128xf32, #tpu.memory_space<hbm>>
    tpu.enqueue_indirect_dma source(%dma_start3A_50 : memref<100000x128xf32, #tpu.memory_space<hbm>>) target(%arg12 : memref<64x128xf32, #tpu.memory_space<vmem>>) offsets(%dma_start3A_47 : memref<64xi32, #tpu.memory_space<vmem>>) semaphore(%arg22 : memref<!tpu.dma_semaphore, #tpu.memory_space<semaphore_mem>>)
    %dma_start3A_51 = arith.constant 3 : i32
    %dma_start3A_52 = arith.constant 64 : i32
    %dma_start3A_53 = tpu.memref_slice %arg5[%dma_start3A_51, %dma_start3A_52] : memref<50x128xi32, #tpu.memory_space<vmem>> -> memref<1x64xi32, #tpu.memory_space<vmem>>
    %dma_start3A_54 = tpu.memref_squeeze %dma_start3A_53 : memref<1x64xi32, #tpu.memory_space<vmem>> -> memref<64xi32, #tpu.memory_space<vmem>>
    %dma_start3A_55 = arith.constant 0 : i32
    %dma_start3A_56 = arith.constant 0 : i32
    %dma_start3A_57 = tpu.memref_slice %arg3[%dma_start3A_55, %dma_start3A_56] : memref<100000x128xf32, #tpu.memory_space<hbm>> -> memref<100000x128xf32, #tpu.memory_space<hbm>>
    tpu.enqueue_indirect_dma source(%dma_start3A_57 : memref<100000x128xf32, #tpu.memory_space<hbm>>) target(%arg13 : memref<64x128xf32, #tpu.memory_space<vmem>>) offsets(%dma_start3A_54 : memref<64xi32, #tpu.memory_space<vmem>>) semaphore(%arg23 : memref<!tpu.dma_semaphore, #tpu.memory_space<semaphore_mem>>)
    %dma_start3A_58 = arith.constant 4 : i32
    %dma_start3A_59 = arith.constant 0 : i32
    %dma_start3A_60 = tpu.memref_slice %arg5[%dma_start3A_58, %dma_start3A_59] : memref<50x128xi32, #tpu.memory_space<vmem>> -> memref<1x64xi32, #tpu.memory_space<vmem>>
    %dma_start3A_61 = tpu.memref_squeeze %dma_start3A_60 : memref<1x64xi32, #tpu.memory_space<vmem>> -> memref<64xi32, #tpu.memory_space<vmem>>
    %dma_start3A_62 = arith.constant 0 : i32
    %dma_start3A_63 = arith.constant 0 : i32
    %dma_start3A_64 = tpu.memref_slice %arg3[%dma_start3A_62, %dma_start3A_63] : memref<100000x128xf32, #tpu.memory_space<hbm>> -> memref<100000x128xf32, #tpu.memory_space<hbm>>
    tpu.enqueue_indirect_dma source(%dma_start3A_64 : memref<100000x128xf32, #tpu.memory_space<hbm>>) target(%arg14 : memref<64x128xf32, #tpu.memory_space<vmem>>) offsets(%dma_start3A_61 : memref<64xi32, #tpu.memory_space<vmem>>) semaphore(%arg24 : memref<!tpu.dma_semaphore, #tpu.memory_space<semaphore_mem>>)
    %dma_start3A_65 = arith.constant 4 : i32
    %dma_start3A_66 = arith.constant 64 : i32
    %dma_start3A_67 = tpu.memref_slice %arg5[%dma_start3A_65, %dma_start3A_66] : memref<50x128xi32, #tpu.memory_space<vmem>> -> memref<1x64xi32, #tpu.memory_space<vmem>>
    %dma_start3A_68 = tpu.memref_squeeze %dma_start3A_67 : memref<1x64xi32, #tpu.memory_space<vmem>> -> memref<64xi32, #tpu.memory_space<vmem>>
    %dma_start3A_69 = arith.constant 0 : i32
    %dma_start3A_70 = arith.constant 0 : i32
    %dma_start3A_71 = tpu.memref_slice %arg3[%dma_start3A_69, %dma_start3A_70] : memref<100000x128xf32, #tpu.memory_space<hbm>> -> memref<100000x128xf32, #tpu.memory_space<hbm>>
    tpu.enqueue_indirect_dma source(%dma_start3A_71 : memref<100000x128xf32, #tpu.memory_space<hbm>>) target(%arg15 : memref<64x128xf32, #tpu.memory_space<vmem>>) offsets(%dma_start3A_68 : memref<64xi32, #tpu.memory_space<vmem>>) semaphore(%arg25 : memref<!tpu.dma_semaphore, #tpu.memory_space<semaphore_mem>>)
    %scan3A = arith.constant 0 : i32
    %scan3A_72 = arith.constant 0 : i32
    %scan3A_73 = arith.constant 10 : i32
    %scan3A_74 = arith.addi %scan3A_72, %scan3A_73 : i32
    %scan3A_75 = arith.constant 1 : i32
    scf.for %scan3A_146 = %scan3A_72 to %scan3A_74 step %scan3A_75  : i32 {
      %dma_wait3A_147 = arith.constant 0 : i32
      %dma_wait3A_148 = arith.constant 0 : i32
      %dma_wait3A_149 = tpu.memref_slice %arg5[%dma_wait3A_147, %dma_wait3A_148] : memref<50x128xi32, #tpu.memory_space<vmem>> -> memref<1x64xi32, #tpu.memory_space<vmem>>
      %dma_wait3A_150 = tpu.memref_squeeze %dma_wait3A_149 : memref<1x64xi32, #tpu.memory_space<vmem>> -> memref<64xi32, #tpu.memory_space<vmem>>
      %dma_wait3A_151 = arith.constant 0 : i32
      %dma_wait3A_152 = arith.constant 0 : i32
      %dma_wait3A_153 = tpu.memref_slice %arg3[%dma_wait3A_151, %dma_wait3A_152] : memref<100000x128xf32, #tpu.memory_space<hbm>> -> memref<100000x128xf32, #tpu.memory_space<hbm>>
      tpu.wait_indirect_dma semaphore(%arg16 : memref<!tpu.dma_semaphore, #tpu.memory_space<semaphore_mem>>) src(%dma_wait3A_153 : memref<100000x128xf32, #tpu.memory_space<hbm>>) dst(%arg6 : memref<64x128xf32, #tpu.memory_space<vmem>>)
      %mul3A_154 = arith.constant 10 : i32
      %mul3A_155 = arith.muli %scan3A_146, %mul3A_154 : i32
      %add3A_156 = arith.constant 0 : i32
      %add3A_157 = arith.addi %mul3A_155, %add3A_156 : i32
      %jit3A = arith.constant 2 : i32
      %div3A = arith.divsi %add3A_157, %jit3A : i32
      %sign3A = arith.constant 0 : i32
      %sign3A_158 = arith.cmpi sgt, %add3A_157, %sign3A : i32
      %sign3A_159 = arith.extui %sign3A_158 : i1 to i32
      %sign3A_160 = arith.constant 0 : i32
      %sign3A_161 = arith.cmpi slt, %add3A_157, %sign3A_160 : i32
      %sign3A_162 = arith.extui %sign3A_161 : i1 to i32
      %sign3A_163 = arith.subi %sign3A_159, %sign3A_162 : i32
      %sign3A_164 = arith.constant 0 : i32
      %sign3A_165 = arith.cmpi sgt, %jit3A, %sign3A_164 : i32
      %sign3A_166 = arith.extui %sign3A_165 : i1 to i32
      %sign3A_167 = arith.constant 0 : i32
      %sign3A_168 = arith.cmpi slt, %jit3A, %sign3A_167 : i32
      %sign3A_169 = arith.extui %sign3A_168 : i1 to i32
      %sign3A_170 = arith.subi %sign3A_166, %sign3A_169 : i32
      %ne3A = arith.cmpi ne, %sign3A_163, %sign3A_170 : i32
      %rem3A = arith.remsi %add3A_157, %jit3A : i32
      %ne3A_171 = arith.constant 0 : i32
      %ne3A_172 = arith.cmpi ne, %rem3A, %ne3A_171 : i32
      %and3A = arith.andi %ne3A, %ne3A_172 : i1
      %sub3A = arith.constant 1 : i32
      %sub3A_173 = arith.subi %div3A, %sub3A : i32
      %select_n3A = arith.select %and3A, %sub3A_173, %div3A : i32
      %jit3A_174 = arith.constant 2 : i32
      %eq3A = arith.constant 0 : i32
      %eq3A_175 = arith.cmpi eq, %jit3A_174, %eq3A : i32
      %jit3A_176 = arith.constant 1 : i32
      %select_n3A_177 = arith.select %eq3A_175, %jit3A_176, %jit3A_174 : i32
      %rem3A_178 = arith.remsi %add3A_157, %select_n3A_177 : i32
      %ne3A_179 = arith.constant 0 : i32
      %ne3A_180 = arith.cmpi ne, %rem3A_178, %ne3A_179 : i32
      %lt3A = arith.constant 0 : i32
      %lt3A_181 = arith.cmpi slt, %rem3A_178, %lt3A : i32
      %lt3A_182 = arith.constant 0 : i32
      %lt3A_183 = arith.cmpi slt, %select_n3A_177, %lt3A_182 : i32
      %ne3A_184 = arith.xori %lt3A_181, %lt3A_183 : i1
      %and3A_185 = arith.andi %ne3A_184, %ne3A_180 : i1
      %add3A_186 = arith.addi %rem3A_178, %select_n3A_177 : i32
      %select_n3A_187 = arith.select %and3A_185, %add3A_186, %rem3A_178 : i32
      %mul3A_188 = arith.constant 64 : i32
      %mul3A_189 = arith.muli %select_n3A_187, %mul3A_188 : i32
      %add3A_190 = arith.addi %mul3A_2, %mul3A_189 : i32
      %dma_start3A_191 = arith.constant 0 : i32
      %dma_start3A_192 = tpu.memref_slice %arg4[%select_n3A, %add3A_190, %dma_start3A_191] : memref<50x4096x128xf32, #tpu.memory_space<hbm>> -> memref<1x64x128xf32, #tpu.memory_space<hbm>>
      %dma_start3A_193 = tpu.memref_squeeze %dma_start3A_192 : memref<1x64x128xf32, #tpu.memory_space<hbm>> -> memref<64x128xf32, #tpu.memory_space<hbm>>
      %dma_start3A_194 = arith.constant 0 : i32
      %dma_start3A_195 = tpu.memref_slice %arg4[%select_n3A, %add3A_190, %dma_start3A_194] : memref<50x4096x128xf32, #tpu.memory_space<hbm>> -> memref<1x64x128xf32, #tpu.memory_space<hbm>>
      %dma_start3A_196 = tpu.memref_squeeze %dma_start3A_195 : memref<1x64x128xf32, #tpu.memory_space<hbm>> -> memref<64x128xf32, #tpu.memory_space<hbm>>
      tpu.enqueue_dma source(%arg6 : memref<64x128xf32, #tpu.memory_space<vmem>>) target(%dma_start3A_196 : memref<64x128xf32, #tpu.memory_space<hbm>>) target_semaphore(%arg26 : memref<!tpu.dma_semaphore, #tpu.memory_space<semaphore_mem>>)
      %dma_wait3A_197 = arith.constant 0 : i32
      %dma_wait3A_198 = arith.constant 0 : i32
      %dma_wait3A_199 = tpu.memref_slice %arg5[%dma_wait3A_197, %dma_wait3A_198] : memref<50x128xi32, #tpu.memory_space<vmem>> -> memref<1x64xi32, #tpu.memory_space<vmem>>
      %dma_wait3A_200 = tpu.memref_squeeze %dma_wait3A_199 : memref<1x64xi32, #tpu.memory_space<vmem>> -> memref<64xi32, #tpu.memory_space<vmem>>
      %dma_wait3A_201 = arith.constant 0 : i32
      %dma_wait3A_202 = arith.constant 0 : i32
      %dma_wait3A_203 = tpu.memref_slice %arg3[%dma_wait3A_201, %dma_wait3A_202] : memref<100000x128xf32, #tpu.memory_space<hbm>> -> memref<100000x128xf32, #tpu.memory_space<hbm>>
      tpu.wait_indirect_dma semaphore(%arg17 : memref<!tpu.dma_semaphore, #tpu.memory_space<semaphore_mem>>) src(%dma_wait3A_203 : memref<100000x128xf32, #tpu.memory_space<hbm>>) dst(%arg7 : memref<64x128xf32, #tpu.memory_space<vmem>>)
      %mul3A_204 = arith.constant 10 : i32
      %mul3A_205 = arith.muli %scan3A_146, %mul3A_204 : i32
      %add3A_206 = arith.constant 1 : i32
      %add3A_207 = arith.addi %mul3A_205, %add3A_206 : i32
      %jit3A_208 = arith.constant 2 : i32
      %div3A_209 = arith.divsi %add3A_207, %jit3A_208 : i32
      %sign3A_210 = arith.constant 0 : i32
      %sign3A_211 = arith.cmpi sgt, %add3A_207, %sign3A_210 : i32
      %sign3A_212 = arith.extui %sign3A_211 : i1 to i32
      %sign3A_213 = arith.constant 0 : i32
      %sign3A_214 = arith.cmpi slt, %add3A_207, %sign3A_213 : i32
      %sign3A_215 = arith.extui %sign3A_214 : i1 to i32
      %sign3A_216 = arith.subi %sign3A_212, %sign3A_215 : i32
      %sign3A_217 = arith.constant 0 : i32
      %sign3A_218 = arith.cmpi sgt, %jit3A_208, %sign3A_217 : i32
      %sign3A_219 = arith.extui %sign3A_218 : i1 to i32
      %sign3A_220 = arith.constant 0 : i32
      %sign3A_221 = arith.cmpi slt, %jit3A_208, %sign3A_220 : i32
      %sign3A_222 = arith.extui %sign3A_221 : i1 to i32
      %sign3A_223 = arith.subi %sign3A_219, %sign3A_222 : i32
      %ne3A_224 = arith.cmpi ne, %sign3A_216, %sign3A_223 : i32
      %rem3A_225 = arith.remsi %add3A_207, %jit3A_208 : i32
      %ne3A_226 = arith.constant 0 : i32
      %ne3A_227 = arith.cmpi ne, %rem3A_225, %ne3A_226 : i32
      %and3A_228 = arith.andi %ne3A_224, %ne3A_227 : i1
      %sub3A_229 = arith.constant 1 : i32
      %sub3A_230 = arith.subi %div3A_209, %sub3A_229 : i32
      %select_n3A_231 = arith.select %and3A_228, %sub3A_230, %div3A_209 : i32
      %jit3A_232 = arith.constant 2 : i32
      %eq3A_233 = arith.constant 0 : i32
      %eq3A_234 = arith.cmpi eq, %jit3A_232, %eq3A_233 : i32
      %jit3A_235 = arith.constant 1 : i32
      %select_n3A_236 = arith.select %eq3A_234, %jit3A_235, %jit3A_232 : i32
      %rem3A_237 = arith.remsi %add3A_207, %select_n3A_236 : i32
      %ne3A_238 = arith.constant 0 : i32
      %ne3A_239 = arith.cmpi ne, %rem3A_237, %ne3A_238 : i32
      %lt3A_240 = arith.constant 0 : i32
      %lt3A_241 = arith.cmpi slt, %rem3A_237, %lt3A_240 : i32
      %lt3A_242 = arith.constant 0 : i32
      %lt3A_243 = arith.cmpi slt, %select_n3A_236, %lt3A_242 : i32
      %ne3A_244 = arith.xori %lt3A_241, %lt3A_243 : i1
      %and3A_245 = arith.andi %ne3A_244, %ne3A_239 : i1
      %add3A_246 = arith.addi %rem3A_237, %select_n3A_236 : i32
      %select_n3A_247 = arith.select %and3A_245, %add3A_246, %rem3A_237 : i32
      %mul3A_248 = arith.constant 64 : i32
      %mul3A_249 = arith.muli %select_n3A_247, %mul3A_248 : i32
      %add3A_250 = arith.addi %mul3A_2, %mul3A_249 : i32
      %dma_start3A_251 = arith.constant 0 : i32
      %dma_start3A_252 = tpu.memref_slice %arg4[%select_n3A_231, %add3A_250, %dma_start3A_251] : memref<50x4096x128xf32, #tpu.memory_space<hbm>> -> memref<1x64x128xf32, #tpu.memory_space<hbm>>
      %dma_start3A_253 = tpu.memref_squeeze %dma_start3A_252 : memref<1x64x128xf32, #tpu.memory_space<hbm>> -> memref<64x128xf32, #tpu.memory_space<hbm>>
      %dma_start3A_254 = arith.constant 0 : i32
      %dma_start3A_255 = tpu.memref_slice %arg4[%select_n3A_231, %add3A_250, %dma_start3A_254] : memref<50x4096x128xf32, #tpu.memory_space<hbm>> -> memref<1x64x128xf32, #tpu.memory_space<hbm>>
      %dma_start3A_256 = tpu.memref_squeeze %dma_start3A_255 : memref<1x64x128xf32, #tpu.memory_space<hbm>> -> memref<64x128xf32, #tpu.memory_space<hbm>>
      tpu.enqueue_dma source(%arg7 : memref<64x128xf32, #tpu.memory_space<vmem>>) target(%dma_start3A_256 : memref<64x128xf32, #tpu.memory_space<hbm>>) target_semaphore(%arg27 : memref<!tpu.dma_semaphore, #tpu.memory_space<semaphore_mem>>)
      %dma_wait3A_257 = arith.constant 0 : i32
      %dma_wait3A_258 = arith.constant 0 : i32
      %dma_wait3A_259 = tpu.memref_slice %arg5[%dma_wait3A_257, %dma_wait3A_258] : memref<50x128xi32, #tpu.memory_space<vmem>> -> memref<1x64xi32, #tpu.memory_space<vmem>>
      %dma_wait3A_260 = tpu.memref_squeeze %dma_wait3A_259 : memref<1x64xi32, #tpu.memory_space<vmem>> -> memref<64xi32, #tpu.memory_space<vmem>>
      %dma_wait3A_261 = arith.constant 0 : i32
      %dma_wait3A_262 = arith.constant 0 : i32
      %dma_wait3A_263 = tpu.memref_slice %arg3[%dma_wait3A_261, %dma_wait3A_262] : memref<100000x128xf32, #tpu.memory_space<hbm>> -> memref<100000x128xf32, #tpu.memory_space<hbm>>
      tpu.wait_indirect_dma semaphore(%arg18 : memref<!tpu.dma_semaphore, #tpu.memory_space<semaphore_mem>>) src(%dma_wait3A_263 : memref<100000x128xf32, #tpu.memory_space<hbm>>) dst(%arg8 : memref<64x128xf32, #tpu.memory_space<vmem>>)
      %mul3A_264 = arith.constant 10 : i32
      %mul3A_265 = arith.muli %scan3A_146, %mul3A_264 : i32
      %add3A_266 = arith.constant 2 : i32
      %add3A_267 = arith.addi %mul3A_265, %add3A_266 : i32
      %jit3A_268 = arith.constant 2 : i32
      %div3A_269 = arith.divsi %add3A_267, %jit3A_268 : i32
      %sign3A_270 = arith.constant 0 : i32
      %sign3A_271 = arith.cmpi sgt, %add3A_267, %sign3A_270 : i32
      %sign3A_272 = arith.extui %sign3A_271 : i1 to i32
      %sign3A_273 = arith.constant 0 : i32
      %sign3A_274 = arith.cmpi slt, %add3A_267, %sign3A_273 : i32
      %sign3A_275 = arith.extui %sign3A_274 : i1 to i32
      %sign3A_276 = arith.subi %sign3A_272, %sign3A_275 : i32
      %sign3A_277 = arith.constant 0 : i32
      %sign3A_278 = arith.cmpi sgt, %jit3A_268, %sign3A_277 : i32
      %sign3A_279 = arith.extui %sign3A_278 : i1 to i32
      %sign3A_280 = arith.constant 0 : i32
      %sign3A_281 = arith.cmpi slt, %jit3A_268, %sign3A_280 : i32
      %sign3A_282 = arith.extui %sign3A_281 : i1 to i32
      %sign3A_283 = arith.subi %sign3A_279, %sign3A_282 : i32
      %ne3A_284 = arith.cmpi ne, %sign3A_276, %sign3A_283 : i32
      %rem3A_285 = arith.remsi %add3A_267, %jit3A_268 : i32
      %ne3A_286 = arith.constant 0 : i32
      %ne3A_287 = arith.cmpi ne, %rem3A_285, %ne3A_286 : i32
      %and3A_288 = arith.andi %ne3A_284, %ne3A_287 : i1
      %sub3A_289 = arith.constant 1 : i32
      %sub3A_290 = arith.subi %div3A_269, %sub3A_289 : i32
      %select_n3A_291 = arith.select %and3A_288, %sub3A_290, %div3A_269 : i32
      %jit3A_292 = arith.constant 2 : i32
      %eq3A_293 = arith.constant 0 : i32
      %eq3A_294 = arith.cmpi eq, %jit3A_292, %eq3A_293 : i32
      %jit3A_295 = arith.constant 1 : i32
      %select_n3A_296 = arith.select %eq3A_294, %jit3A_295, %jit3A_292 : i32
      %rem3A_297 = arith.remsi %add3A_267, %select_n3A_296 : i32
      %ne3A_298 = arith.constant 0 : i32
      %ne3A_299 = arith.cmpi ne, %rem3A_297, %ne3A_298 : i32
      %lt3A_300 = arith.constant 0 : i32
      %lt3A_301 = arith.cmpi slt, %rem3A_297, %lt3A_300 : i32
      %lt3A_302 = arith.constant 0 : i32
      %lt3A_303 = arith.cmpi slt, %select_n3A_296, %lt3A_302 : i32
      %ne3A_304 = arith.xori %lt3A_301, %lt3A_303 : i1
      %and3A_305 = arith.andi %ne3A_304, %ne3A_299 : i1
      %add3A_306 = arith.addi %rem3A_297, %select_n3A_296 : i32
      %select_n3A_307 = arith.select %and3A_305, %add3A_306, %rem3A_297 : i32
      %mul3A_308 = arith.constant 64 : i32
      %mul3A_309 = arith.muli %select_n3A_307, %mul3A_308 : i32
      %add3A_310 = arith.addi %mul3A_2, %mul3A_309 : i32
      %dma_start3A_311 = arith.constant 0 : i32
      %dma_start3A_312 = tpu.memref_slice %arg4[%select_n3A_291, %add3A_310, %dma_start3A_311] : memref<50x4096x128xf32, #tpu.memory_space<hbm>> -> memref<1x64x128xf32, #tpu.memory_space<hbm>>
      %dma_start3A_313 = tpu.memref_squeeze %dma_start3A_312 : memref<1x64x128xf32, #tpu.memory_space<hbm>> -> memref<64x128xf32, #tpu.memory_space<hbm>>
      %dma_start3A_314 = arith.constant 0 : i32
      %dma_start3A_315 = tpu.memref_slice %arg4[%select_n3A_291, %add3A_310, %dma_start3A_314] : memref<50x4096x128xf32, #tpu.memory_space<hbm>> -> memref<1x64x128xf32, #tpu.memory_space<hbm>>
      %dma_start3A_316 = tpu.memref_squeeze %dma_start3A_315 : memref<1x64x128xf32, #tpu.memory_space<hbm>> -> memref<64x128xf32, #tpu.memory_space<hbm>>
      tpu.enqueue_dma source(%arg8 : memref<64x128xf32, #tpu.memory_space<vmem>>) target(%dma_start3A_316 : memref<64x128xf32, #tpu.memory_space<hbm>>) target_semaphore(%arg28 : memref<!tpu.dma_semaphore, #tpu.memory_space<semaphore_mem>>)
      %dma_wait3A_317 = arith.constant 0 : i32
      %dma_wait3A_318 = arith.constant 0 : i32
      %dma_wait3A_319 = tpu.memref_slice %arg5[%dma_wait3A_317, %dma_wait3A_318] : memref<50x128xi32, #tpu.memory_space<vmem>> -> memref<1x64xi32, #tpu.memory_space<vmem>>
      %dma_wait3A_320 = tpu.memref_squeeze %dma_wait3A_319 : memref<1x64xi32, #tpu.memory_space<vmem>> -> memref<64xi32, #tpu.memory_space<vmem>>
      %dma_wait3A_321 = arith.constant 0 : i32
      %dma_wait3A_322 = arith.constant 0 : i32
      %dma_wait3A_323 = tpu.memref_slice %arg3[%dma_wait3A_321, %dma_wait3A_322] : memref<100000x128xf32, #tpu.memory_space<hbm>> -> memref<100000x128xf32, #tpu.memory_space<hbm>>
      tpu.wait_indirect_dma semaphore(%arg19 : memref<!tpu.dma_semaphore, #tpu.memory_space<semaphore_mem>>) src(%dma_wait3A_323 : memref<100000x128xf32, #tpu.memory_space<hbm>>) dst(%arg9 : memref<64x128xf32, #tpu.memory_space<vmem>>)
      %mul3A_324 = arith.constant 10 : i32
      %mul3A_325 = arith.muli %scan3A_146, %mul3A_324 : i32
      %add3A_326 = arith.constant 3 : i32
      %add3A_327 = arith.addi %mul3A_325, %add3A_326 : i32
      %jit3A_328 = arith.constant 2 : i32
      %div3A_329 = arith.divsi %add3A_327, %jit3A_328 : i32
      %sign3A_330 = arith.constant 0 : i32
      %sign3A_331 = arith.cmpi sgt, %add3A_327, %sign3A_330 : i32
      %sign3A_332 = arith.extui %sign3A_331 : i1 to i32
      %sign3A_333 = arith.constant 0 : i32
      %sign3A_334 = arith.cmpi slt, %add3A_327, %sign3A_333 : i32
      %sign3A_335 = arith.extui %sign3A_334 : i1 to i32
      %sign3A_336 = arith.subi %sign3A_332, %sign3A_335 : i32
      %sign3A_337 = arith.constant 0 : i32
      %sign3A_338 = arith.cmpi sgt, %jit3A_328, %sign3A_337 : i32
      %sign3A_339 = arith.extui %sign3A_338 : i1 to i32
      %sign3A_340 = arith.constant 0 : i32
      %sign3A_341 = arith.cmpi slt, %jit3A_328, %sign3A_340 : i32
      %sign3A_342 = arith.extui %sign3A_341 : i1 to i32
      %sign3A_343 = arith.subi %sign3A_339, %sign3A_342 : i32
      %ne3A_344 = arith.cmpi ne, %sign3A_336, %sign3A_343 : i32
      %rem3A_345 = arith.remsi %add3A_327, %jit3A_328 : i32
      %ne3A_346 = arith.constant 0 : i32
      %ne3A_347 = arith.cmpi ne, %rem3A_345, %ne3A_346 : i32
      %and3A_348 = arith.andi %ne3A_344, %ne3A_347 : i1
      %sub3A_349 = arith.constant 1 : i32
      %sub3A_350 = arith.subi %div3A_329, %sub3A_349 : i32
      %select_n3A_351 = arith.select %and3A_348, %sub3A_350, %div3A_329 : i32
      %jit3A_352 = arith.constant 2 : i32
      %eq3A_353 = arith.constant 0 : i32
      %eq3A_354 = arith.cmpi eq, %jit3A_352, %eq3A_353 : i32
      %jit3A_355 = arith.constant 1 : i32
      %select_n3A_356 = arith.select %eq3A_354, %jit3A_355, %jit3A_352 : i32
      %rem3A_357 = arith.remsi %add3A_327, %select_n3A_356 : i32
      %ne3A_358 = arith.constant 0 : i32
      %ne3A_359 = arith.cmpi ne, %rem3A_357, %ne3A_358 : i32
      %lt3A_360 = arith.constant 0 : i32
      %lt3A_361 = arith.cmpi slt, %rem3A_357, %lt3A_360 : i32
      %lt3A_362 = arith.constant 0 : i32
      %lt3A_363 = arith.cmpi slt, %select_n3A_356, %lt3A_362 : i32
      %ne3A_364 = arith.xori %lt3A_361, %lt3A_363 : i1
      %and3A_365 = arith.andi %ne3A_364, %ne3A_359 : i1
      %add3A_366 = arith.addi %rem3A_357, %select_n3A_356 : i32
      %select_n3A_367 = arith.select %and3A_365, %add3A_366, %rem3A_357 : i32
      %mul3A_368 = arith.constant 64 : i32
      %mul3A_369 = arith.muli %select_n3A_367, %mul3A_368 : i32
      %add3A_370 = arith.addi %mul3A_2, %mul3A_369 : i32
      %dma_start3A_371 = arith.constant 0 : i32
      %dma_start3A_372 = tpu.memref_slice %arg4[%select_n3A_351, %add3A_370, %dma_start3A_371] : memref<50x4096x128xf32, #tpu.memory_space<hbm>> -> memref<1x64x128xf32, #tpu.memory_space<hbm>>
      %dma_start3A_373 = tpu.memref_squeeze %dma_start3A_372 : memref<1x64x128xf32, #tpu.memory_space<hbm>> -> memref<64x128xf32, #tpu.memory_space<hbm>>
      %dma_start3A_374 = arith.constant 0 : i32
      %dma_start3A_375 = tpu.memref_slice %arg4[%select_n3A_351, %add3A_370, %dma_start3A_374] : memref<50x4096x128xf32, #tpu.memory_space<hbm>> -> memref<1x64x128xf32, #tpu.memory_space<hbm>>
      %dma_start3A_376 = tpu.memref_squeeze %dma_start3A_375 : memref<1x64x128xf32, #tpu.memory_space<hbm>> -> memref<64x128xf32, #tpu.memory_space<hbm>>
      tpu.enqueue_dma source(%arg9 : memref<64x128xf32, #tpu.memory_space<vmem>>) target(%dma_start3A_376 : memref<64x128xf32, #tpu.memory_space<hbm>>) target_semaphore(%arg29 : memref<!tpu.dma_semaphore, #tpu.memory_space<semaphore_mem>>)
      %dma_wait3A_377 = arith.constant 0 : i32
      %dma_wait3A_378 = arith.constant 0 : i32
      %dma_wait3A_379 = tpu.memref_slice %arg5[%dma_wait3A_377, %dma_wait3A_378] : memref<50x128xi32, #tpu.memory_space<vmem>> -> memref<1x64xi32, #tpu.memory_space<vmem>>
      %dma_wait3A_380 = tpu.memref_squeeze %dma_wait3A_379 : memref<1x64xi32, #tpu.memory_space<vmem>> -> memref<64xi32, #tpu.memory_space<vmem>>
      %dma_wait3A_381 = arith.constant 0 : i32
      %dma_wait3A_382 = arith.constant 0 : i32
      %dma_wait3A_383 = tpu.memref_slice %arg3[%dma_wait3A_381, %dma_wait3A_382] : memref<100000x128xf32, #tpu.memory_space<hbm>> -> memref<100000x128xf32, #tpu.memory_space<hbm>>
      tpu.wait_indirect_dma semaphore(%arg20 : memref<!tpu.dma_semaphore, #tpu.memory_space<semaphore_mem>>) src(%dma_wait3A_383 : memref<100000x128xf32, #tpu.memory_space<hbm>>) dst(%arg10 : memref<64x128xf32, #tpu.memory_space<vmem>>)
      %mul3A_384 = arith.constant 10 : i32
      %mul3A_385 = arith.muli %scan3A_146, %mul3A_384 : i32
      %add3A_386 = arith.constant 4 : i32
      %add3A_387 = arith.addi %mul3A_385, %add3A_386 : i32
      %jit3A_388 = arith.constant 2 : i32
      %div3A_389 = arith.divsi %add3A_387, %jit3A_388 : i32
      %sign3A_390 = arith.constant 0 : i32
      %sign3A_391 = arith.cmpi sgt, %add3A_387, %sign3A_390 : i32
      %sign3A_392 = arith.extui %sign3A_391 : i1 to i32
      %sign3A_393 = arith.constant 0 : i32
      %sign3A_394 = arith.cmpi slt, %add3A_387, %sign3A_393 : i32
      %sign3A_395 = arith.extui %sign3A_394 : i1 to i32
      %sign3A_396 = arith.subi %sign3A_392, %sign3A_395 : i32
      %sign3A_397 = arith.constant 0 : i32
      %sign3A_398 = arith.cmpi sgt, %jit3A_388, %sign3A_397 : i32
      %sign3A_399 = arith.extui %sign3A_398 : i1 to i32
      %sign3A_400 = arith.constant 0 : i32
      %sign3A_401 = arith.cmpi slt, %jit3A_388, %sign3A_400 : i32
      %sign3A_402 = arith.extui %sign3A_401 : i1 to i32
      %sign3A_403 = arith.subi %sign3A_399, %sign3A_402 : i32
      %ne3A_404 = arith.cmpi ne, %sign3A_396, %sign3A_403 : i32
      %rem3A_405 = arith.remsi %add3A_387, %jit3A_388 : i32
      %ne3A_406 = arith.constant 0 : i32
      %ne3A_407 = arith.cmpi ne, %rem3A_405, %ne3A_406 : i32
      %and3A_408 = arith.andi %ne3A_404, %ne3A_407 : i1
      %sub3A_409 = arith.constant 1 : i32
      %sub3A_410 = arith.subi %div3A_389, %sub3A_409 : i32
      %select_n3A_411 = arith.select %and3A_408, %sub3A_410, %div3A_389 : i32
      %jit3A_412 = arith.constant 2 : i32
      %eq3A_413 = arith.constant 0 : i32
      %eq3A_414 = arith.cmpi eq, %jit3A_412, %eq3A_413 : i32
      %jit3A_415 = arith.constant 1 : i32
      %select_n3A_416 = arith.select %eq3A_414, %jit3A_415, %jit3A_412 : i32
      %rem3A_417 = arith.remsi %add3A_387, %select_n3A_416 : i32
      %ne3A_418 = arith.constant 0 : i32
      %ne3A_419 = arith.cmpi ne, %rem3A_417, %ne3A_418 : i32
      %lt3A_420 = arith.constant 0 : i32
      %lt3A_421 = arith.cmpi slt, %rem3A_417, %lt3A_420 : i32
      %lt3A_422 = arith.constant 0 : i32
      %lt3A_423 = arith.cmpi slt, %select_n3A_416, %lt3A_422 : i32
      %ne3A_424 = arith.xori %lt3A_421, %lt3A_423 : i1
      %and3A_425 = arith.andi %ne3A_424, %ne3A_419 : i1
      %add3A_426 = arith.addi %rem3A_417, %select_n3A_416 : i32
      %select_n3A_427 = arith.select %and3A_425, %add3A_426, %rem3A_417 : i32
      %mul3A_428 = arith.constant 64 : i32
      %mul3A_429 = arith.muli %select_n3A_427, %mul3A_428 : i32
      %add3A_430 = arith.addi %mul3A_2, %mul3A_429 : i32
      %dma_start3A_431 = arith.constant 0 : i32
      %dma_start3A_432 = tpu.memref_slice %arg4[%select_n3A_411, %add3A_430, %dma_start3A_431] : memref<50x4096x128xf32, #tpu.memory_space<hbm>> -> memref<1x64x128xf32, #tpu.memory_space<hbm>>
      %dma_start3A_433 = tpu.memref_squeeze %dma_start3A_432 : memref<1x64x128xf32, #tpu.memory_space<hbm>> -> memref<64x128xf32, #tpu.memory_space<hbm>>
      %dma_start3A_434 = arith.constant 0 : i32
      %dma_start3A_435 = tpu.memref_slice %arg4[%select_n3A_411, %add3A_430, %dma_start3A_434] : memref<50x4096x128xf32, #tpu.memory_space<hbm>> -> memref<1x64x128xf32, #tpu.memory_space<hbm>>
      %dma_start3A_436 = tpu.memref_squeeze %dma_start3A_435 : memref<1x64x128xf32, #tpu.memory_space<hbm>> -> memref<64x128xf32, #tpu.memory_space<hbm>>
      tpu.enqueue_dma source(%arg10 : memref<64x128xf32, #tpu.memory_space<vmem>>) target(%dma_start3A_436 : memref<64x128xf32, #tpu.memory_space<hbm>>) target_semaphore(%arg30 : memref<!tpu.dma_semaphore, #tpu.memory_space<semaphore_mem>>)
      %dma_wait3A_437 = arith.constant 0 : i32
      %dma_wait3A_438 = arith.constant 0 : i32
      %dma_wait3A_439 = tpu.memref_slice %arg5[%dma_wait3A_437, %dma_wait3A_438] : memref<50x128xi32, #tpu.memory_space<vmem>> -> memref<1x64xi32, #tpu.memory_space<vmem>>
      %dma_wait3A_440 = tpu.memref_squeeze %dma_wait3A_439 : memref<1x64xi32, #tpu.memory_space<vmem>> -> memref<64xi32, #tpu.memory_space<vmem>>
      %dma_wait3A_441 = arith.constant 0 : i32
      %dma_wait3A_442 = arith.constant 0 : i32
      %dma_wait3A_443 = tpu.memref_slice %arg3[%dma_wait3A_441, %dma_wait3A_442] : memref<100000x128xf32, #tpu.memory_space<hbm>> -> memref<100000x128xf32, #tpu.memory_space<hbm>>
      tpu.wait_indirect_dma semaphore(%arg21 : memref<!tpu.dma_semaphore, #tpu.memory_space<semaphore_mem>>) src(%dma_wait3A_443 : memref<100000x128xf32, #tpu.memory_space<hbm>>) dst(%arg11 : memref<64x128xf32, #tpu.memory_space<vmem>>)
      %mul3A_444 = arith.constant 10 : i32
      %mul3A_445 = arith.muli %scan3A_146, %mul3A_444 : i32
      %add3A_446 = arith.constant 5 : i32
      %add3A_447 = arith.addi %mul3A_445, %add3A_446 : i32
      %jit3A_448 = arith.constant 2 : i32
      %div3A_449 = arith.divsi %add3A_447, %jit3A_448 : i32
      %sign3A_450 = arith.constant 0 : i32
      %sign3A_451 = arith.cmpi sgt, %add3A_447, %sign3A_450 : i32
      %sign3A_452 = arith.extui %sign3A_451 : i1 to i32
      %sign3A_453 = arith.constant 0 : i32
      %sign3A_454 = arith.cmpi slt, %add3A_447, %sign3A_453 : i32
      %sign3A_455 = arith.extui %sign3A_454 : i1 to i32
      %sign3A_456 = arith.subi %sign3A_452, %sign3A_455 : i32
      %sign3A_457 = arith.constant 0 : i32
      %sign3A_458 = arith.cmpi sgt, %jit3A_448, %sign3A_457 : i32
      %sign3A_459 = arith.extui %sign3A_458 : i1 to i32
      %sign3A_460 = arith.constant 0 : i32
      %sign3A_461 = arith.cmpi slt, %jit3A_448, %sign3A_460 : i32
      %sign3A_462 = arith.extui %sign3A_461 : i1 to i32
      %sign3A_463 = arith.subi %sign3A_459, %sign3A_462 : i32
      %ne3A_464 = arith.cmpi ne, %sign3A_456, %sign3A_463 : i32
      %rem3A_465 = arith.remsi %add3A_447, %jit3A_448 : i32
      %ne3A_466 = arith.constant 0 : i32
      %ne3A_467 = arith.cmpi ne, %rem3A_465, %ne3A_466 : i32
      %and3A_468 = arith.andi %ne3A_464, %ne3A_467 : i1
      %sub3A_469 = arith.constant 1 : i32
      %sub3A_470 = arith.subi %div3A_449, %sub3A_469 : i32
      %select_n3A_471 = arith.select %and3A_468, %sub3A_470, %div3A_449 : i32
      %jit3A_472 = arith.constant 2 : i32
      %eq3A_473 = arith.constant 0 : i32
      %eq3A_474 = arith.cmpi eq, %jit3A_472, %eq3A_473 : i32
      %jit3A_475 = arith.constant 1 : i32
      %select_n3A_476 = arith.select %eq3A_474, %jit3A_475, %jit3A_472 : i32
      %rem3A_477 = arith.remsi %add3A_447, %select_n3A_476 : i32
      %ne3A_478 = arith.constant 0 : i32
      %ne3A_479 = arith.cmpi ne, %rem3A_477, %ne3A_478 : i32
      %lt3A_480 = arith.constant 0 : i32
      %lt3A_481 = arith.cmpi slt, %rem3A_477, %lt3A_480 : i32
      %lt3A_482 = arith.constant 0 : i32
      %lt3A_483 = arith.cmpi slt, %select_n3A_476, %lt3A_482 : i32
      %ne3A_484 = arith.xori %lt3A_481, %lt3A_483 : i1
      %and3A_485 = arith.andi %ne3A_484, %ne3A_479 : i1
      %add3A_486 = arith.addi %rem3A_477, %select_n3A_476 : i32
      %select_n3A_487 = arith.select %and3A_485, %add3A_486, %rem3A_477 : i32
      %mul3A_488 = arith.constant 64 : i32
      %mul3A_489 = arith.muli %select_n3A_487, %mul3A_488 : i32
      %add3A_490 = arith.addi %mul3A_2, %mul3A_489 : i32
      %dma_start3A_491 = arith.constant 0 : i32
      %dma_start3A_492 = tpu.memref_slice %arg4[%select_n3A_471, %add3A_490, %dma_start3A_491] : memref<50x4096x128xf32, #tpu.memory_space<hbm>> -> memref<1x64x128xf32, #tpu.memory_space<hbm>>
      %dma_start3A_493 = tpu.memref_squeeze %dma_start3A_492 : memref<1x64x128xf32, #tpu.memory_space<hbm>> -> memref<64x128xf32, #tpu.memory_space<hbm>>
      %dma_start3A_494 = arith.constant 0 : i32
      %dma_start3A_495 = tpu.memref_slice %arg4[%select_n3A_471, %add3A_490, %dma_start3A_494] : memref<50x4096x128xf32, #tpu.memory_space<hbm>> -> memref<1x64x128xf32, #tpu.memory_space<hbm>>
      %dma_start3A_496 = tpu.memref_squeeze %dma_start3A_495 : memref<1x64x128xf32, #tpu.memory_space<hbm>> -> memref<64x128xf32, #tpu.memory_space<hbm>>
      tpu.enqueue_dma source(%arg11 : memref<64x128xf32, #tpu.memory_space<vmem>>) target(%dma_start3A_496 : memref<64x128xf32, #tpu.memory_space<hbm>>) target_semaphore(%arg31 : memref<!tpu.dma_semaphore, #tpu.memory_space<semaphore_mem>>)
      %dma_wait3A_497 = arith.constant 0 : i32
      %dma_wait3A_498 = arith.constant 0 : i32
      %dma_wait3A_499 = tpu.memref_slice %arg5[%dma_wait3A_497, %dma_wait3A_498] : memref<50x128xi32, #tpu.memory_space<vmem>> -> memref<1x64xi32, #tpu.memory_space<vmem>>
      %dma_wait3A_500 = tpu.memref_squeeze %dma_wait3A_499 : memref<1x64xi32, #tpu.memory_space<vmem>> -> memref<64xi32, #tpu.memory_space<vmem>>
      %dma_wait3A_501 = arith.constant 0 : i32
      %dma_wait3A_502 = arith.constant 0 : i32
      %dma_wait3A_503 = tpu.memref_slice %arg3[%dma_wait3A_501, %dma_wait3A_502] : memref<100000x128xf32, #tpu.memory_space<hbm>> -> memref<100000x128xf32, #tpu.memory_space<hbm>>
      tpu.wait_indirect_dma semaphore(%arg22 : memref<!tpu.dma_semaphore, #tpu.memory_space<semaphore_mem>>) src(%dma_wait3A_503 : memref<100000x128xf32, #tpu.memory_space<hbm>>) dst(%arg12 : memref<64x128xf32, #tpu.memory_space<vmem>>)
      %mul3A_504 = arith.constant 10 : i32
      %mul3A_505 = arith.muli %scan3A_146, %mul3A_504 : i32
      %add3A_506 = arith.constant 6 : i32
      %add3A_507 = arith.addi %mul3A_505, %add3A_506 : i32
      %jit3A_508 = arith.constant 2 : i32
      %div3A_509 = arith.divsi %add3A_507, %jit3A_508 : i32
      %sign3A_510 = arith.constant 0 : i32
      %sign3A_511 = arith.cmpi sgt, %add3A_507, %sign3A_510 : i32
      %sign3A_512 = arith.extui %sign3A_511 : i1 to i32
      %sign3A_513 = arith.constant 0 : i32
      %sign3A_514 = arith.cmpi slt, %add3A_507, %sign3A_513 : i32
      %sign3A_515 = arith.extui %sign3A_514 : i1 to i32
      %sign3A_516 = arith.subi %sign3A_512, %sign3A_515 : i32
      %sign3A_517 = arith.constant 0 : i32
      %sign3A_518 = arith.cmpi sgt, %jit3A_508, %sign3A_517 : i32
      %sign3A_519 = arith.extui %sign3A_518 : i1 to i32
      %sign3A_520 = arith.constant 0 : i32
      %sign3A_521 = arith.cmpi slt, %jit3A_508, %sign3A_520 : i32
      %sign3A_522 = arith.extui %sign3A_521 : i1 to i32
      %sign3A_523 = arith.subi %sign3A_519, %sign3A_522 : i32
      %ne3A_524 = arith.cmpi ne, %sign3A_516, %sign3A_523 : i32
      %rem3A_525 = arith.remsi %add3A_507, %jit3A_508 : i32
      %ne3A_526 = arith.constant 0 : i32
      %ne3A_527 = arith.cmpi ne, %rem3A_525, %ne3A_526 : i32
      %and3A_528 = arith.andi %ne3A_524, %ne3A_527 : i1
      %sub3A_529 = arith.constant 1 : i32
      %sub3A_530 = arith.subi %div3A_509, %sub3A_529 : i32
      %select_n3A_531 = arith.select %and3A_528, %sub3A_530, %div3A_509 : i32
      %jit3A_532 = arith.constant 2 : i32
      %eq3A_533 = arith.constant 0 : i32
      %eq3A_534 = arith.cmpi eq, %jit3A_532, %eq3A_533 : i32
      %jit3A_535 = arith.constant 1 : i32
      %select_n3A_536 = arith.select %eq3A_534, %jit3A_535, %jit3A_532 : i32
      %rem3A_537 = arith.remsi %add3A_507, %select_n3A_536 : i32
      %ne3A_538 = arith.constant 0 : i32
      %ne3A_539 = arith.cmpi ne, %rem3A_537, %ne3A_538 : i32
      %lt3A_540 = arith.constant 0 : i32
      %lt3A_541 = arith.cmpi slt, %rem3A_537, %lt3A_540 : i32
      %lt3A_542 = arith.constant 0 : i32
      %lt3A_543 = arith.cmpi slt, %select_n3A_536, %lt3A_542 : i32
      %ne3A_544 = arith.xori %lt3A_541, %lt3A_543 : i1
      %and3A_545 = arith.andi %ne3A_544, %ne3A_539 : i1
      %add3A_546 = arith.addi %rem3A_537, %select_n3A_536 : i32
      %select_n3A_547 = arith.select %and3A_545, %add3A_546, %rem3A_537 : i32
      %mul3A_548 = arith.constant 64 : i32
      %mul3A_549 = arith.muli %select_n3A_547, %mul3A_548 : i32
      %add3A_550 = arith.addi %mul3A_2, %mul3A_549 : i32
      %dma_start3A_551 = arith.constant 0 : i32
      %dma_start3A_552 = tpu.memref_slice %arg4[%select_n3A_531, %add3A_550, %dma_start3A_551] : memref<50x4096x128xf32, #tpu.memory_space<hbm>> -> memref<1x64x128xf32, #tpu.memory_space<hbm>>
      %dma_start3A_553 = tpu.memref_squeeze %dma_start3A_552 : memref<1x64x128xf32, #tpu.memory_space<hbm>> -> memref<64x128xf32, #tpu.memory_space<hbm>>
      %dma_start3A_554 = arith.constant 0 : i32
      %dma_start3A_555 = tpu.memref_slice %arg4[%select_n3A_531, %add3A_550, %dma_start3A_554] : memref<50x4096x128xf32, #tpu.memory_space<hbm>> -> memref<1x64x128xf32, #tpu.memory_space<hbm>>
      %dma_start3A_556 = tpu.memref_squeeze %dma_start3A_555 : memref<1x64x128xf32, #tpu.memory_space<hbm>> -> memref<64x128xf32, #tpu.memory_space<hbm>>
      tpu.enqueue_dma source(%arg12 : memref<64x128xf32, #tpu.memory_space<vmem>>) target(%dma_start3A_556 : memref<64x128xf32, #tpu.memory_space<hbm>>) target_semaphore(%arg32 : memref<!tpu.dma_semaphore, #tpu.memory_space<semaphore_mem>>)
      %dma_wait3A_557 = arith.constant 0 : i32
      %dma_wait3A_558 = arith.constant 0 : i32
      %dma_wait3A_559 = tpu.memref_slice %arg5[%dma_wait3A_557, %dma_wait3A_558] : memref<50x128xi32, #tpu.memory_space<vmem>> -> memref<1x64xi32, #tpu.memory_space<vmem>>
      %dma_wait3A_560 = tpu.memref_squeeze %dma_wait3A_559 : memref<1x64xi32, #tpu.memory_space<vmem>> -> memref<64xi32, #tpu.memory_space<vmem>>
      %dma_wait3A_561 = arith.constant 0 : i32
      %dma_wait3A_562 = arith.constant 0 : i32
      %dma_wait3A_563 = tpu.memref_slice %arg3[%dma_wait3A_561, %dma_wait3A_562] : memref<100000x128xf32, #tpu.memory_space<hbm>> -> memref<100000x128xf32, #tpu.memory_space<hbm>>
      tpu.wait_indirect_dma semaphore(%arg23 : memref<!tpu.dma_semaphore, #tpu.memory_space<semaphore_mem>>) src(%dma_wait3A_563 : memref<100000x128xf32, #tpu.memory_space<hbm>>) dst(%arg13 : memref<64x128xf32, #tpu.memory_space<vmem>>)
      %mul3A_564 = arith.constant 10 : i32
      %mul3A_565 = arith.muli %scan3A_146, %mul3A_564 : i32
      %add3A_566 = arith.constant 7 : i32
      %add3A_567 = arith.addi %mul3A_565, %add3A_566 : i32
      %jit3A_568 = arith.constant 2 : i32
      %div3A_569 = arith.divsi %add3A_567, %jit3A_568 : i32
      %sign3A_570 = arith.constant 0 : i32
      %sign3A_571 = arith.cmpi sgt, %add3A_567, %sign3A_570 : i32
      %sign3A_572 = arith.extui %sign3A_571 : i1 to i32
      %sign3A_573 = arith.constant 0 : i32
      %sign3A_574 = arith.cmpi slt, %add3A_567, %sign3A_573 : i32
      %sign3A_575 = arith.extui %sign3A_574 : i1 to i32
      %sign3A_576 = arith.subi %sign3A_572, %sign3A_575 : i32
      %sign3A_577 = arith.constant 0 : i32
      %sign3A_578 = arith.cmpi sgt, %jit3A_568, %sign3A_577 : i32
      %sign3A_579 = arith.extui %sign3A_578 : i1 to i32
      %sign3A_580 = arith.constant 0 : i32
      %sign3A_581 = arith.cmpi slt, %jit3A_568, %sign3A_580 : i32
      %sign3A_582 = arith.extui %sign3A_581 : i1 to i32
      %sign3A_583 = arith.subi %sign3A_579, %sign3A_582 : i32
      %ne3A_584 = arith.cmpi ne, %sign3A_576, %sign3A_583 : i32
      %rem3A_585 = arith.remsi %add3A_567, %jit3A_568 : i32
      %ne3A_586 = arith.constant 0 : i32
      %ne3A_587 = arith.cmpi ne, %rem3A_585, %ne3A_586 : i32
      %and3A_588 = arith.andi %ne3A_584, %ne3A_587 : i1
      %sub3A_589 = arith.constant 1 : i32
      %sub3A_590 = arith.subi %div3A_569, %sub3A_589 : i32
      %select_n3A_591 = arith.select %and3A_588, %sub3A_590, %div3A_569 : i32
      %jit3A_592 = arith.constant 2 : i32
      %eq3A_593 = arith.constant 0 : i32
      %eq3A_594 = arith.cmpi eq, %jit3A_592, %eq3A_593 : i32
      %jit3A_595 = arith.constant 1 : i32
      %select_n3A_596 = arith.select %eq3A_594, %jit3A_595, %jit3A_592 : i32
      %rem3A_597 = arith.remsi %add3A_567, %select_n3A_596 : i32
      %ne3A_598 = arith.constant 0 : i32
      %ne3A_599 = arith.cmpi ne, %rem3A_597, %ne3A_598 : i32
      %lt3A_600 = arith.constant 0 : i32
      %lt3A_601 = arith.cmpi slt, %rem3A_597, %lt3A_600 : i32
      %lt3A_602 = arith.constant 0 : i32
      %lt3A_603 = arith.cmpi slt, %select_n3A_596, %lt3A_602 : i32
      %ne3A_604 = arith.xori %lt3A_601, %lt3A_603 : i1
      %and3A_605 = arith.andi %ne3A_604, %ne3A_599 : i1
      %add3A_606 = arith.addi %rem3A_597, %select_n3A_596 : i32
      %select_n3A_607 = arith.select %and3A_605, %add3A_606, %rem3A_597 : i32
      %mul3A_608 = arith.constant 64 : i32
      %mul3A_609 = arith.muli %select_n3A_607, %mul3A_608 : i32
      %add3A_610 = arith.addi %mul3A_2, %mul3A_609 : i32
      %dma_start3A_611 = arith.constant 0 : i32
      %dma_start3A_612 = tpu.memref_slice %arg4[%select_n3A_591, %add3A_610, %dma_start3A_611] : memref<50x4096x128xf32, #tpu.memory_space<hbm>> -> memref<1x64x128xf32, #tpu.memory_space<hbm>>
      %dma_start3A_613 = tpu.memref_squeeze %dma_start3A_612 : memref<1x64x128xf32, #tpu.memory_space<hbm>> -> memref<64x128xf32, #tpu.memory_space<hbm>>
      %dma_start3A_614 = arith.constant 0 : i32
      %dma_start3A_615 = tpu.memref_slice %arg4[%select_n3A_591, %add3A_610, %dma_start3A_614] : memref<50x4096x128xf32, #tpu.memory_space<hbm>> -> memref<1x64x128xf32, #tpu.memory_space<hbm>>
      %dma_start3A_616 = tpu.memref_squeeze %dma_start3A_615 : memref<1x64x128xf32, #tpu.memory_space<hbm>> -> memref<64x128xf32, #tpu.memory_space<hbm>>
      tpu.enqueue_dma source(%arg13 : memref<64x128xf32, #tpu.memory_space<vmem>>) target(%dma_start3A_616 : memref<64x128xf32, #tpu.memory_space<hbm>>) target_semaphore(%arg33 : memref<!tpu.dma_semaphore, #tpu.memory_space<semaphore_mem>>)
      %dma_wait3A_617 = arith.constant 0 : i32
      %dma_wait3A_618 = arith.constant 0 : i32
      %dma_wait3A_619 = tpu.memref_slice %arg5[%dma_wait3A_617, %dma_wait3A_618] : memref<50x128xi32, #tpu.memory_space<vmem>> -> memref<1x64xi32, #tpu.memory_space<vmem>>
      %dma_wait3A_620 = tpu.memref_squeeze %dma_wait3A_619 : memref<1x64xi32, #tpu.memory_space<vmem>> -> memref<64xi32, #tpu.memory_space<vmem>>
      %dma_wait3A_621 = arith.constant 0 : i32
      %dma_wait3A_622 = arith.constant 0 : i32
      %dma_wait3A_623 = tpu.memref_slice %arg3[%dma_wait3A_621, %dma_wait3A_622] : memref<100000x128xf32, #tpu.memory_space<hbm>> -> memref<100000x128xf32, #tpu.memory_space<hbm>>
      tpu.wait_indirect_dma semaphore(%arg24 : memref<!tpu.dma_semaphore, #tpu.memory_space<semaphore_mem>>) src(%dma_wait3A_623 : memref<100000x128xf32, #tpu.memory_space<hbm>>) dst(%arg14 : memref<64x128xf32, #tpu.memory_space<vmem>>)
      %mul3A_624 = arith.constant 10 : i32
      %mul3A_625 = arith.muli %scan3A_146, %mul3A_624 : i32
      %add3A_626 = arith.constant 8 : i32
      %add3A_627 = arith.addi %mul3A_625, %add3A_626 : i32
      %jit3A_628 = arith.constant 2 : i32
      %div3A_629 = arith.divsi %add3A_627, %jit3A_628 : i32
      %sign3A_630 = arith.constant 0 : i32
      %sign3A_631 = arith.cmpi sgt, %add3A_627, %sign3A_630 : i32
      %sign3A_632 = arith.extui %sign3A_631 : i1 to i32
      %sign3A_633 = arith.constant 0 : i32
      %sign3A_634 = arith.cmpi slt, %add3A_627, %sign3A_633 : i32
      %sign3A_635 = arith.extui %sign3A_634 : i1 to i32
      %sign3A_636 = arith.subi %sign3A_632, %sign3A_635 : i32
      %sign3A_637 = arith.constant 0 : i32
      %sign3A_638 = arith.cmpi sgt, %jit3A_628, %sign3A_637 : i32
      %sign3A_639 = arith.extui %sign3A_638 : i1 to i32
      %sign3A_640 = arith.constant 0 : i32
      %sign3A_641 = arith.cmpi slt, %jit3A_628, %sign3A_640 : i32
      %sign3A_642 = arith.extui %sign3A_641 : i1 to i32
      %sign3A_643 = arith.subi %sign3A_639, %sign3A_642 : i32
      %ne3A_644 = arith.cmpi ne, %sign3A_636, %sign3A_643 : i32
      %rem3A_645 = arith.remsi %add3A_627, %jit3A_628 : i32
      %ne3A_646 = arith.constant 0 : i32
      %ne3A_647 = arith.cmpi ne, %rem3A_645, %ne3A_646 : i32
      %and3A_648 = arith.andi %ne3A_644, %ne3A_647 : i1
      %sub3A_649 = arith.constant 1 : i32
      %sub3A_650 = arith.subi %div3A_629, %sub3A_649 : i32
      %select_n3A_651 = arith.select %and3A_648, %sub3A_650, %div3A_629 : i32
      %jit3A_652 = arith.constant 2 : i32
      %eq3A_653 = arith.constant 0 : i32
      %eq3A_654 = arith.cmpi eq, %jit3A_652, %eq3A_653 : i32
      %jit3A_655 = arith.constant 1 : i32
      %select_n3A_656 = arith.select %eq3A_654, %jit3A_655, %jit3A_652 : i32
      %rem3A_657 = arith.remsi %add3A_627, %select_n3A_656 : i32
      %ne3A_658 = arith.constant 0 : i32
      %ne3A_659 = arith.cmpi ne, %rem3A_657, %ne3A_658 : i32
      %lt3A_660 = arith.constant 0 : i32
      %lt3A_661 = arith.cmpi slt, %rem3A_657, %lt3A_660 : i32
      %lt3A_662 = arith.constant 0 : i32
      %lt3A_663 = arith.cmpi slt, %select_n3A_656, %lt3A_662 : i32
      %ne3A_664 = arith.xori %lt3A_661, %lt3A_663 : i1
      %and3A_665 = arith.andi %ne3A_664, %ne3A_659 : i1
      %add3A_666 = arith.addi %rem3A_657, %select_n3A_656 : i32
      %select_n3A_667 = arith.select %and3A_665, %add3A_666, %rem3A_657 : i32
      %mul3A_668 = arith.constant 64 : i32
      %mul3A_669 = arith.muli %select_n3A_667, %mul3A_668 : i32
      %add3A_670 = arith.addi %mul3A_2, %mul3A_669 : i32
      %dma_start3A_671 = arith.constant 0 : i32
      %dma_start3A_672 = tpu.memref_slice %arg4[%select_n3A_651, %add3A_670, %dma_start3A_671] : memref<50x4096x128xf32, #tpu.memory_space<hbm>> -> memref<1x64x128xf32, #tpu.memory_space<hbm>>
      %dma_start3A_673 = tpu.memref_squeeze %dma_start3A_672 : memref<1x64x128xf32, #tpu.memory_space<hbm>> -> memref<64x128xf32, #tpu.memory_space<hbm>>
      %dma_start3A_674 = arith.constant 0 : i32
      %dma_start3A_675 = tpu.memref_slice %arg4[%select_n3A_651, %add3A_670, %dma_start3A_674] : memref<50x4096x128xf32, #tpu.memory_space<hbm>> -> memref<1x64x128xf32, #tpu.memory_space<hbm>>
      %dma_start3A_676 = tpu.memref_squeeze %dma_start3A_675 : memref<1x64x128xf32, #tpu.memory_space<hbm>> -> memref<64x128xf32, #tpu.memory_space<hbm>>
      tpu.enqueue_dma source(%arg14 : memref<64x128xf32, #tpu.memory_space<vmem>>) target(%dma_start3A_676 : memref<64x128xf32, #tpu.memory_space<hbm>>) target_semaphore(%arg34 : memref<!tpu.dma_semaphore, #tpu.memory_space<semaphore_mem>>)
      %dma_wait3A_677 = arith.constant 0 : i32
      %dma_wait3A_678 = arith.constant 0 : i32
      %dma_wait3A_679 = tpu.memref_slice %arg5[%dma_wait3A_677, %dma_wait3A_678] : memref<50x128xi32, #tpu.memory_space<vmem>> -> memref<1x64xi32, #tpu.memory_space<vmem>>
      %dma_wait3A_680 = tpu.memref_squeeze %dma_wait3A_679 : memref<1x64xi32, #tpu.memory_space<vmem>> -> memref<64xi32, #tpu.memory_space<vmem>>
      %dma_wait3A_681 = arith.constant 0 : i32
      %dma_wait3A_682 = arith.constant 0 : i32
      %dma_wait3A_683 = tpu.memref_slice %arg3[%dma_wait3A_681, %dma_wait3A_682] : memref<100000x128xf32, #tpu.memory_space<hbm>> -> memref<100000x128xf32, #tpu.memory_space<hbm>>
      tpu.wait_indirect_dma semaphore(%arg25 : memref<!tpu.dma_semaphore, #tpu.memory_space<semaphore_mem>>) src(%dma_wait3A_683 : memref<100000x128xf32, #tpu.memory_space<hbm>>) dst(%arg15 : memref<64x128xf32, #tpu.memory_space<vmem>>)
      %mul3A_684 = arith.constant 10 : i32
      %mul3A_685 = arith.muli %scan3A_146, %mul3A_684 : i32
      %add3A_686 = arith.constant 9 : i32
      %add3A_687 = arith.addi %mul3A_685, %add3A_686 : i32
      %jit3A_688 = arith.constant 2 : i32
      %div3A_689 = arith.divsi %add3A_687, %jit3A_688 : i32
      %sign3A_690 = arith.constant 0 : i32
      %sign3A_691 = arith.cmpi sgt, %add3A_687, %sign3A_690 : i32
      %sign3A_692 = arith.extui %sign3A_691 : i1 to i32
      %sign3A_693 = arith.constant 0 : i32
      %sign3A_694 = arith.cmpi slt, %add3A_687, %sign3A_693 : i32
      %sign3A_695 = arith.extui %sign3A_694 : i1 to i32
      %sign3A_696 = arith.subi %sign3A_692, %sign3A_695 : i32
      %sign3A_697 = arith.constant 0 : i32
      %sign3A_698 = arith.cmpi sgt, %jit3A_688, %sign3A_697 : i32
      %sign3A_699 = arith.extui %sign3A_698 : i1 to i32
      %sign3A_700 = arith.constant 0 : i32
      %sign3A_701 = arith.cmpi slt, %jit3A_688, %sign3A_700 : i32
      %sign3A_702 = arith.extui %sign3A_701 : i1 to i32
      %sign3A_703 = arith.subi %sign3A_699, %sign3A_702 : i32
      %ne3A_704 = arith.cmpi ne, %sign3A_696, %sign3A_703 : i32
      %rem3A_705 = arith.remsi %add3A_687, %jit3A_688 : i32
      %ne3A_706 = arith.constant 0 : i32
      %ne3A_707 = arith.cmpi ne, %rem3A_705, %ne3A_706 : i32
      %and3A_708 = arith.andi %ne3A_704, %ne3A_707 : i1
      %sub3A_709 = arith.constant 1 : i32
      %sub3A_710 = arith.subi %div3A_689, %sub3A_709 : i32
      %select_n3A_711 = arith.select %and3A_708, %sub3A_710, %div3A_689 : i32
      %jit3A_712 = arith.constant 2 : i32
      %eq3A_713 = arith.constant 0 : i32
      %eq3A_714 = arith.cmpi eq, %jit3A_712, %eq3A_713 : i32
      %jit3A_715 = arith.constant 1 : i32
      %select_n3A_716 = arith.select %eq3A_714, %jit3A_715, %jit3A_712 : i32
      %rem3A_717 = arith.remsi %add3A_687, %select_n3A_716 : i32
      %ne3A_718 = arith.constant 0 : i32
      %ne3A_719 = arith.cmpi ne, %rem3A_717, %ne3A_718 : i32
      %lt3A_720 = arith.constant 0 : i32
      %lt3A_721 = arith.cmpi slt, %rem3A_717, %lt3A_720 : i32
      %lt3A_722 = arith.constant 0 : i32
      %lt3A_723 = arith.cmpi slt, %select_n3A_716, %lt3A_722 : i32
      %ne3A_724 = arith.xori %lt3A_721, %lt3A_723 : i1
      %and3A_725 = arith.andi %ne3A_724, %ne3A_719 : i1
      %add3A_726 = arith.addi %rem3A_717, %select_n3A_716 : i32
      %select_n3A_727 = arith.select %and3A_725, %add3A_726, %rem3A_717 : i32
      %mul3A_728 = arith.constant 64 : i32
      %mul3A_729 = arith.muli %select_n3A_727, %mul3A_728 : i32
      %add3A_730 = arith.addi %mul3A_2, %mul3A_729 : i32
      %dma_start3A_731 = arith.constant 0 : i32
      %dma_start3A_732 = tpu.memref_slice %arg4[%select_n3A_711, %add3A_730, %dma_start3A_731] : memref<50x4096x128xf32, #tpu.memory_space<hbm>> -> memref<1x64x128xf32, #tpu.memory_space<hbm>>
      %dma_start3A_733 = tpu.memref_squeeze %dma_start3A_732 : memref<1x64x128xf32, #tpu.memory_space<hbm>> -> memref<64x128xf32, #tpu.memory_space<hbm>>
      %dma_start3A_734 = arith.constant 0 : i32
      %dma_start3A_735 = tpu.memref_slice %arg4[%select_n3A_711, %add3A_730, %dma_start3A_734] : memref<50x4096x128xf32, #tpu.memory_space<hbm>> -> memref<1x64x128xf32, #tpu.memory_space<hbm>>
      %dma_start3A_736 = tpu.memref_squeeze %dma_start3A_735 : memref<1x64x128xf32, #tpu.memory_space<hbm>> -> memref<64x128xf32, #tpu.memory_space<hbm>>
      tpu.enqueue_dma source(%arg15 : memref<64x128xf32, #tpu.memory_space<vmem>>) target(%dma_start3A_736 : memref<64x128xf32, #tpu.memory_space<hbm>>) target_semaphore(%arg35 : memref<!tpu.dma_semaphore, #tpu.memory_space<semaphore_mem>>)
      %lt3A_737 = arith.constant 9 : i32
      %lt3A_738 = arith.cmpi slt, %scan3A_146, %lt3A_737 : i32
      %convert_element_type3A = arith.extui %lt3A_738 : i1 to i32
      %cond3A = arith.constant 0 : i32
      %cond3A_739 = arith.cmpi ne, %convert_element_type3A, %cond3A : i32
      scf.if %cond3A_739 {
        %dma_wait3A_740 = arith.constant 0 : i32
        %dma_wait3A_741 = arith.constant 0 : i32
        %dma_wait3A_742 = tpu.memref_slice %arg4[%dma_wait3A_740, %mul3A_2, %dma_wait3A_741] : memref<50x4096x128xf32, #tpu.memory_space<hbm>> -> memref<1x64x128xf32, #tpu.memory_space<hbm>>
        %dma_wait3A_743 = tpu.memref_squeeze %dma_wait3A_742 : memref<1x64x128xf32, #tpu.memory_space<hbm>> -> memref<64x128xf32, #tpu.memory_space<hbm>>
        %dma_wait3A_744 = arith.constant 0 : i32
        %dma_wait3A_745 = tpu.memref_slice %arg4[%dma_wait3A_740, %mul3A_2, %dma_wait3A_744] : memref<50x4096x128xf32, #tpu.memory_space<hbm>> -> memref<1x64x128xf32, #tpu.memory_space<hbm>>
        %dma_wait3A_746 = tpu.memref_squeeze %dma_wait3A_745 : memref<1x64x128xf32, #tpu.memory_space<hbm>> -> memref<64x128xf32, #tpu.memory_space<hbm>>
        tpu.wait_dma2 semaphore(%arg26 : memref<!tpu.dma_semaphore, #tpu.memory_space<semaphore_mem>>) src(%arg6 : memref<64x128xf32, #tpu.memory_space<vmem>>) dst(%dma_wait3A_746 : memref<64x128xf32, #tpu.memory_space<hbm>>)
        %add3A_747 = arith.constant 1 : i32
        %add3A_748 = arith.addi %scan3A_146, %add3A_747 : i32
        %mul3A_749 = arith.constant 10 : i32
        %mul3A_750 = arith.muli %add3A_748, %mul3A_749 : i32
        %add3A_751 = arith.constant 0 : i32
        %add3A_752 = arith.addi %mul3A_750, %add3A_751 : i32
        %jit3A_753 = arith.constant 2 : i32
        %div3A_754 = arith.divsi %add3A_752, %jit3A_753 : i32
        %sign3A_755 = arith.constant 0 : i32
        %sign3A_756 = arith.cmpi sgt, %add3A_752, %sign3A_755 : i32
        %sign3A_757 = arith.extui %sign3A_756 : i1 to i32
        %sign3A_758 = arith.constant 0 : i32
        %sign3A_759 = arith.cmpi slt, %add3A_752, %sign3A_758 : i32
        %sign3A_760 = arith.extui %sign3A_759 : i1 to i32
        %sign3A_761 = arith.subi %sign3A_757, %sign3A_760 : i32
        %sign3A_762 = arith.constant 0 : i32
        %sign3A_763 = arith.cmpi sgt, %jit3A_753, %sign3A_762 : i32
        %sign3A_764 = arith.extui %sign3A_763 : i1 to i32
        %sign3A_765 = arith.constant 0 : i32
        %sign3A_766 = arith.cmpi slt, %jit3A_753, %sign3A_765 : i32
        %sign3A_767 = arith.extui %sign3A_766 : i1 to i32
        %sign3A_768 = arith.subi %sign3A_764, %sign3A_767 : i32
        %ne3A_769 = arith.cmpi ne, %sign3A_761, %sign3A_768 : i32
        %rem3A_770 = arith.remsi %add3A_752, %jit3A_753 : i32
        %ne3A_771 = arith.constant 0 : i32
        %ne3A_772 = arith.cmpi ne, %rem3A_770, %ne3A_771 : i32
        %and3A_773 = arith.andi %ne3A_769, %ne3A_772 : i1
        %sub3A_774 = arith.constant 1 : i32
        %sub3A_775 = arith.subi %div3A_754, %sub3A_774 : i32
        %select_n3A_776 = arith.select %and3A_773, %sub3A_775, %div3A_754 : i32
        %jit3A_777 = arith.constant 2 : i32
        %eq3A_778 = arith.constant 0 : i32
        %eq3A_779 = arith.cmpi eq, %jit3A_777, %eq3A_778 : i32
        %jit3A_780 = arith.constant 1 : i32
        %select_n3A_781 = arith.select %eq3A_779, %jit3A_780, %jit3A_777 : i32
        %rem3A_782 = arith.remsi %add3A_752, %select_n3A_781 : i32
        %ne3A_783 = arith.constant 0 : i32
        %ne3A_784 = arith.cmpi ne, %rem3A_782, %ne3A_783 : i32
        %lt3A_785 = arith.constant 0 : i32
        %lt3A_786 = arith.cmpi slt, %rem3A_782, %lt3A_785 : i32
        %lt3A_787 = arith.constant 0 : i32
        %lt3A_788 = arith.cmpi slt, %select_n3A_781, %lt3A_787 : i32
        %ne3A_789 = arith.xori %lt3A_786, %lt3A_788 : i1
        %and3A_790 = arith.andi %ne3A_789, %ne3A_784 : i1
        %add3A_791 = arith.addi %rem3A_782, %select_n3A_781 : i32
        %select_n3A_792 = arith.select %and3A_790, %add3A_791, %rem3A_782 : i32
        %mul3A_793 = arith.constant 64 : i32
        %mul3A_794 = arith.muli %select_n3A_792, %mul3A_793 : i32
        %dma_start3A_795 = tpu.memref_slice %arg5[%select_n3A_776, %mul3A_794] : memref<50x128xi32, #tpu.memory_space<vmem>> -> memref<1x64xi32, #tpu.memory_space<vmem>>
        %dma_start3A_796 = tpu.memref_squeeze %dma_start3A_795 : memref<1x64xi32, #tpu.memory_space<vmem>> -> memref<64xi32, #tpu.memory_space<vmem>>
        %dma_start3A_797 = arith.constant 0 : i32
        %dma_start3A_798 = arith.constant 0 : i32
        %dma_start3A_799 = tpu.memref_slice %arg3[%dma_start3A_797, %dma_start3A_798] : memref<100000x128xf32, #tpu.memory_space<hbm>> -> memref<100000x128xf32, #tpu.memory_space<hbm>>
        tpu.enqueue_indirect_dma source(%dma_start3A_799 : memref<100000x128xf32, #tpu.memory_space<hbm>>) target(%arg6 : memref<64x128xf32, #tpu.memory_space<vmem>>) offsets(%dma_start3A_796 : memref<64xi32, #tpu.memory_space<vmem>>) semaphore(%arg16 : memref<!tpu.dma_semaphore, #tpu.memory_space<semaphore_mem>>)
        %dma_wait3A_800 = arith.constant 0 : i32
        %dma_wait3A_801 = arith.constant 0 : i32
        %dma_wait3A_802 = tpu.memref_slice %arg4[%dma_wait3A_800, %mul3A_2, %dma_wait3A_801] : memref<50x4096x128xf32, #tpu.memory_space<hbm>> -> memref<1x64x128xf32, #tpu.memory_space<hbm>>
        %dma_wait3A_803 = tpu.memref_squeeze %dma_wait3A_802 : memref<1x64x128xf32, #tpu.memory_space<hbm>> -> memref<64x128xf32, #tpu.memory_space<hbm>>
        %dma_wait3A_804 = arith.constant 0 : i32
        %dma_wait3A_805 = tpu.memref_slice %arg4[%dma_wait3A_800, %mul3A_2, %dma_wait3A_804] : memref<50x4096x128xf32, #tpu.memory_space<hbm>> -> memref<1x64x128xf32, #tpu.memory_space<hbm>>
        %dma_wait3A_806 = tpu.memref_squeeze %dma_wait3A_805 : memref<1x64x128xf32, #tpu.memory_space<hbm>> -> memref<64x128xf32, #tpu.memory_space<hbm>>
        tpu.wait_dma2 semaphore(%arg27 : memref<!tpu.dma_semaphore, #tpu.memory_space<semaphore_mem>>) src(%arg7 : memref<64x128xf32, #tpu.memory_space<vmem>>) dst(%dma_wait3A_806 : memref<64x128xf32, #tpu.memory_space<hbm>>)
        %add3A_807 = arith.constant 1 : i32
        %add3A_808 = arith.addi %scan3A_146, %add3A_807 : i32
        %mul3A_809 = arith.constant 10 : i32
        %mul3A_810 = arith.muli %add3A_808, %mul3A_809 : i32
        %add3A_811 = arith.constant 1 : i32
        %add3A_812 = arith.addi %mul3A_810, %add3A_811 : i32
        %jit3A_813 = arith.constant 2 : i32
        %div3A_814 = arith.divsi %add3A_812, %jit3A_813 : i32
        %sign3A_815 = arith.constant 0 : i32
        %sign3A_816 = arith.cmpi sgt, %add3A_812, %sign3A_815 : i32
        %sign3A_817 = arith.extui %sign3A_816 : i1 to i32
        %sign3A_818 = arith.constant 0 : i32
        %sign3A_819 = arith.cmpi slt, %add3A_812, %sign3A_818 : i32
        %sign3A_820 = arith.extui %sign3A_819 : i1 to i32
        %sign3A_821 = arith.subi %sign3A_817, %sign3A_820 : i32
        %sign3A_822 = arith.constant 0 : i32
        %sign3A_823 = arith.cmpi sgt, %jit3A_813, %sign3A_822 : i32
        %sign3A_824 = arith.extui %sign3A_823 : i1 to i32
        %sign3A_825 = arith.constant 0 : i32
        %sign3A_826 = arith.cmpi slt, %jit3A_813, %sign3A_825 : i32
        %sign3A_827 = arith.extui %sign3A_826 : i1 to i32
        %sign3A_828 = arith.subi %sign3A_824, %sign3A_827 : i32
        %ne3A_829 = arith.cmpi ne, %sign3A_821, %sign3A_828 : i32
        %rem3A_830 = arith.remsi %add3A_812, %jit3A_813 : i32
        %ne3A_831 = arith.constant 0 : i32
        %ne3A_832 = arith.cmpi ne, %rem3A_830, %ne3A_831 : i32
        %and3A_833 = arith.andi %ne3A_829, %ne3A_832 : i1
        %sub3A_834 = arith.constant 1 : i32
        %sub3A_835 = arith.subi %div3A_814, %sub3A_834 : i32
        %select_n3A_836 = arith.select %and3A_833, %sub3A_835, %div3A_814 : i32
        %jit3A_837 = arith.constant 2 : i32
        %eq3A_838 = arith.constant 0 : i32
        %eq3A_839 = arith.cmpi eq, %jit3A_837, %eq3A_838 : i32
        %jit3A_840 = arith.constant 1 : i32
        %select_n3A_841 = arith.select %eq3A_839, %jit3A_840, %jit3A_837 : i32
        %rem3A_842 = arith.remsi %add3A_812, %select_n3A_841 : i32
        %ne3A_843 = arith.constant 0 : i32
        %ne3A_844 = arith.cmpi ne, %rem3A_842, %ne3A_843 : i32
        %lt3A_845 = arith.constant 0 : i32
        %lt3A_846 = arith.cmpi slt, %rem3A_842, %lt3A_845 : i32
        %lt3A_847 = arith.constant 0 : i32
        %lt3A_848 = arith.cmpi slt, %select_n3A_841, %lt3A_847 : i32
        %ne3A_849 = arith.xori %lt3A_846, %lt3A_848 : i1
        %and3A_850 = arith.andi %ne3A_849, %ne3A_844 : i1
        %add3A_851 = arith.addi %rem3A_842, %select_n3A_841 : i32
        %select_n3A_852 = arith.select %and3A_850, %add3A_851, %rem3A_842 : i32
        %mul3A_853 = arith.constant 64 : i32
        %mul3A_854 = arith.muli %select_n3A_852, %mul3A_853 : i32
        %dma_start3A_855 = tpu.memref_slice %arg5[%select_n3A_836, %mul3A_854] : memref<50x128xi32, #tpu.memory_space<vmem>> -> memref<1x64xi32, #tpu.memory_space<vmem>>
        %dma_start3A_856 = tpu.memref_squeeze %dma_start3A_855 : memref<1x64xi32, #tpu.memory_space<vmem>> -> memref<64xi32, #tpu.memory_space<vmem>>
        %dma_start3A_857 = arith.constant 0 : i32
        %dma_start3A_858 = arith.constant 0 : i32
        %dma_start3A_859 = tpu.memref_slice %arg3[%dma_start3A_857, %dma_start3A_858] : memref<100000x128xf32, #tpu.memory_space<hbm>> -> memref<100000x128xf32, #tpu.memory_space<hbm>>
        tpu.enqueue_indirect_dma source(%dma_start3A_859 : memref<100000x128xf32, #tpu.memory_space<hbm>>) target(%arg7 : memref<64x128xf32, #tpu.memory_space<vmem>>) offsets(%dma_start3A_856 : memref<64xi32, #tpu.memory_space<vmem>>) semaphore(%arg17 : memref<!tpu.dma_semaphore, #tpu.memory_space<semaphore_mem>>)
        %dma_wait3A_860 = arith.constant 0 : i32
        %dma_wait3A_861 = arith.constant 0 : i32
        %dma_wait3A_862 = tpu.memref_slice %arg4[%dma_wait3A_860, %mul3A_2, %dma_wait3A_861] : memref<50x4096x128xf32, #tpu.memory_space<hbm>> -> memref<1x64x128xf32, #tpu.memory_space<hbm>>
        %dma_wait3A_863 = tpu.memref_squeeze %dma_wait3A_862 : memref<1x64x128xf32, #tpu.memory_space<hbm>> -> memref<64x128xf32, #tpu.memory_space<hbm>>
        %dma_wait3A_864 = arith.constant 0 : i32
        %dma_wait3A_865 = tpu.memref_slice %arg4[%dma_wait3A_860, %mul3A_2, %dma_wait3A_864] : memref<50x4096x128xf32, #tpu.memory_space<hbm>> -> memref<1x64x128xf32, #tpu.memory_space<hbm>>
        %dma_wait3A_866 = tpu.memref_squeeze %dma_wait3A_865 : memref<1x64x128xf32, #tpu.memory_space<hbm>> -> memref<64x128xf32, #tpu.memory_space<hbm>>
        tpu.wait_dma2 semaphore(%arg28 : memref<!tpu.dma_semaphore, #tpu.memory_space<semaphore_mem>>) src(%arg8 : memref<64x128xf32, #tpu.memory_space<vmem>>) dst(%dma_wait3A_866 : memref<64x128xf32, #tpu.memory_space<hbm>>)
        %add3A_867 = arith.constant 1 : i32
        %add3A_868 = arith.addi %scan3A_146, %add3A_867 : i32
        %mul3A_869 = arith.constant 10 : i32
        %mul3A_870 = arith.muli %add3A_868, %mul3A_869 : i32
        %add3A_871 = arith.constant 2 : i32
        %add3A_872 = arith.addi %mul3A_870, %add3A_871 : i32
        %jit3A_873 = arith.constant 2 : i32
        %div3A_874 = arith.divsi %add3A_872, %jit3A_873 : i32
        %sign3A_875 = arith.constant 0 : i32
        %sign3A_876 = arith.cmpi sgt, %add3A_872, %sign3A_875 : i32
        %sign3A_877 = arith.extui %sign3A_876 : i1 to i32
        %sign3A_878 = arith.constant 0 : i32
        %sign3A_879 = arith.cmpi slt, %add3A_872, %sign3A_878 : i32
        %sign3A_880 = arith.extui %sign3A_879 : i1 to i32
        %sign3A_881 = arith.subi %sign3A_877, %sign3A_880 : i32
        %sign3A_882 = arith.constant 0 : i32
        %sign3A_883 = arith.cmpi sgt, %jit3A_873, %sign3A_882 : i32
        %sign3A_884 = arith.extui %sign3A_883 : i1 to i32
        %sign3A_885 = arith.constant 0 : i32
        %sign3A_886 = arith.cmpi slt, %jit3A_873, %sign3A_885 : i32
        %sign3A_887 = arith.extui %sign3A_886 : i1 to i32
        %sign3A_888 = arith.subi %sign3A_884, %sign3A_887 : i32
        %ne3A_889 = arith.cmpi ne, %sign3A_881, %sign3A_888 : i32
        %rem3A_890 = arith.remsi %add3A_872, %jit3A_873 : i32
        %ne3A_891 = arith.constant 0 : i32
        %ne3A_892 = arith.cmpi ne, %rem3A_890, %ne3A_891 : i32
        %and3A_893 = arith.andi %ne3A_889, %ne3A_892 : i1
        %sub3A_894 = arith.constant 1 : i32
        %sub3A_895 = arith.subi %div3A_874, %sub3A_894 : i32
        %select_n3A_896 = arith.select %and3A_893, %sub3A_895, %div3A_874 : i32
        %jit3A_897 = arith.constant 2 : i32
        %eq3A_898 = arith.constant 0 : i32
        %eq3A_899 = arith.cmpi eq, %jit3A_897, %eq3A_898 : i32
        %jit3A_900 = arith.constant 1 : i32
        %select_n3A_901 = arith.select %eq3A_899, %jit3A_900, %jit3A_897 : i32
        %rem3A_902 = arith.remsi %add3A_872, %select_n3A_901 : i32
        %ne3A_903 = arith.constant 0 : i32
        %ne3A_904 = arith.cmpi ne, %rem3A_902, %ne3A_903 : i32
        %lt3A_905 = arith.constant 0 : i32
        %lt3A_906 = arith.cmpi slt, %rem3A_902, %lt3A_905 : i32
        %lt3A_907 = arith.constant 0 : i32
        %lt3A_908 = arith.cmpi slt, %select_n3A_901, %lt3A_907 : i32
        %ne3A_909 = arith.xori %lt3A_906, %lt3A_908 : i1
        %and3A_910 = arith.andi %ne3A_909, %ne3A_904 : i1
        %add3A_911 = arith.addi %rem3A_902, %select_n3A_901 : i32
        %select_n3A_912 = arith.select %and3A_910, %add3A_911, %rem3A_902 : i32
        %mul3A_913 = arith.constant 64 : i32
        %mul3A_914 = arith.muli %select_n3A_912, %mul3A_913 : i32
        %dma_start3A_915 = tpu.memref_slice %arg5[%select_n3A_896, %mul3A_914] : memref<50x128xi32, #tpu.memory_space<vmem>> -> memref<1x64xi32, #tpu.memory_space<vmem>>
        %dma_start3A_916 = tpu.memref_squeeze %dma_start3A_915 : memref<1x64xi32, #tpu.memory_space<vmem>> -> memref<64xi32, #tpu.memory_space<vmem>>
        %dma_start3A_917 = arith.constant 0 : i32
        %dma_start3A_918 = arith.constant 0 : i32
        %dma_start3A_919 = tpu.memref_slice %arg3[%dma_start3A_917, %dma_start3A_918] : memref<100000x128xf32, #tpu.memory_space<hbm>> -> memref<100000x128xf32, #tpu.memory_space<hbm>>
        tpu.enqueue_indirect_dma source(%dma_start3A_919 : memref<100000x128xf32, #tpu.memory_space<hbm>>) target(%arg8 : memref<64x128xf32, #tpu.memory_space<vmem>>) offsets(%dma_start3A_916 : memref<64xi32, #tpu.memory_space<vmem>>) semaphore(%arg18 : memref<!tpu.dma_semaphore, #tpu.memory_space<semaphore_mem>>)
        %dma_wait3A_920 = arith.constant 0 : i32
        %dma_wait3A_921 = arith.constant 0 : i32
        %dma_wait3A_922 = tpu.memref_slice %arg4[%dma_wait3A_920, %mul3A_2, %dma_wait3A_921] : memref<50x4096x128xf32, #tpu.memory_space<hbm>> -> memref<1x64x128xf32, #tpu.memory_space<hbm>>
        %dma_wait3A_923 = tpu.memref_squeeze %dma_wait3A_922 : memref<1x64x128xf32, #tpu.memory_space<hbm>> -> memref<64x128xf32, #tpu.memory_space<hbm>>
        %dma_wait3A_924 = arith.constant 0 : i32
        %dma_wait3A_925 = tpu.memref_slice %arg4[%dma_wait3A_920, %mul3A_2, %dma_wait3A_924] : memref<50x4096x128xf32, #tpu.memory_space<hbm>> -> memref<1x64x128xf32, #tpu.memory_space<hbm>>
        %dma_wait3A_926 = tpu.memref_squeeze %dma_wait3A_925 : memref<1x64x128xf32, #tpu.memory_space<hbm>> -> memref<64x128xf32, #tpu.memory_space<hbm>>
        tpu.wait_dma2 semaphore(%arg29 : memref<!tpu.dma_semaphore, #tpu.memory_space<semaphore_mem>>) src(%arg9 : memref<64x128xf32, #tpu.memory_space<vmem>>) dst(%dma_wait3A_926 : memref<64x128xf32, #tpu.memory_space<hbm>>)
        %add3A_927 = arith.constant 1 : i32
        %add3A_928 = arith.addi %scan3A_146, %add3A_927 : i32
        %mul3A_929 = arith.constant 10 : i32
        %mul3A_930 = arith.muli %add3A_928, %mul3A_929 : i32
        %add3A_931 = arith.constant 3 : i32
        %add3A_932 = arith.addi %mul3A_930, %add3A_931 : i32
        %jit3A_933 = arith.constant 2 : i32
        %div3A_934 = arith.divsi %add3A_932, %jit3A_933 : i32
        %sign3A_935 = arith.constant 0 : i32
        %sign3A_936 = arith.cmpi sgt, %add3A_932, %sign3A_935 : i32
        %sign3A_937 = arith.extui %sign3A_936 : i1 to i32
        %sign3A_938 = arith.constant 0 : i32
        %sign3A_939 = arith.cmpi slt, %add3A_932, %sign3A_938 : i32
        %sign3A_940 = arith.extui %sign3A_939 : i1 to i32
        %sign3A_941 = arith.subi %sign3A_937, %sign3A_940 : i32
        %sign3A_942 = arith.constant 0 : i32
        %sign3A_943 = arith.cmpi sgt, %jit3A_933, %sign3A_942 : i32
        %sign3A_944 = arith.extui %sign3A_943 : i1 to i32
        %sign3A_945 = arith.constant 0 : i32
        %sign3A_946 = arith.cmpi slt, %jit3A_933, %sign3A_945 : i32
        %sign3A_947 = arith.extui %sign3A_946 : i1 to i32
        %sign3A_948 = arith.subi %sign3A_944, %sign3A_947 : i32
        %ne3A_949 = arith.cmpi ne, %sign3A_941, %sign3A_948 : i32
        %rem3A_950 = arith.remsi %add3A_932, %jit3A_933 : i32
        %ne3A_951 = arith.constant 0 : i32
        %ne3A_952 = arith.cmpi ne, %rem3A_950, %ne3A_951 : i32
        %and3A_953 = arith.andi %ne3A_949, %ne3A_952 : i1
        %sub3A_954 = arith.constant 1 : i32
        %sub3A_955 = arith.subi %div3A_934, %sub3A_954 : i32
        %select_n3A_956 = arith.select %and3A_953, %sub3A_955, %div3A_934 : i32
        %jit3A_957 = arith.constant 2 : i32
        %eq3A_958 = arith.constant 0 : i32
        %eq3A_959 = arith.cmpi eq, %jit3A_957, %eq3A_958 : i32
        %jit3A_960 = arith.constant 1 : i32
        %select_n3A_961 = arith.select %eq3A_959, %jit3A_960, %jit3A_957 : i32
        %rem3A_962 = arith.remsi %add3A_932, %select_n3A_961 : i32
        %ne3A_963 = arith.constant 0 : i32
        %ne3A_964 = arith.cmpi ne, %rem3A_962, %ne3A_963 : i32
        %lt3A_965 = arith.constant 0 : i32
        %lt3A_966 = arith.cmpi slt, %rem3A_962, %lt3A_965 : i32
        %lt3A_967 = arith.constant 0 : i32
        %lt3A_968 = arith.cmpi slt, %select_n3A_961, %lt3A_967 : i32
        %ne3A_969 = arith.xori %lt3A_966, %lt3A_968 : i1
        %and3A_970 = arith.andi %ne3A_969, %ne3A_964 : i1
        %add3A_971 = arith.addi %rem3A_962, %select_n3A_961 : i32
        %select_n3A_972 = arith.select %and3A_970, %add3A_971, %rem3A_962 : i32
        %mul3A_973 = arith.constant 64 : i32
        %mul3A_974 = arith.muli %select_n3A_972, %mul3A_973 : i32
        %dma_start3A_975 = tpu.memref_slice %arg5[%select_n3A_956, %mul3A_974] : memref<50x128xi32, #tpu.memory_space<vmem>> -> memref<1x64xi32, #tpu.memory_space<vmem>>
        %dma_start3A_976 = tpu.memref_squeeze %dma_start3A_975 : memref<1x64xi32, #tpu.memory_space<vmem>> -> memref<64xi32, #tpu.memory_space<vmem>>
        %dma_start3A_977 = arith.constant 0 : i32
        %dma_start3A_978 = arith.constant 0 : i32
        %dma_start3A_979 = tpu.memref_slice %arg3[%dma_start3A_977, %dma_start3A_978] : memref<100000x128xf32, #tpu.memory_space<hbm>> -> memref<100000x128xf32, #tpu.memory_space<hbm>>
        tpu.enqueue_indirect_dma source(%dma_start3A_979 : memref<100000x128xf32, #tpu.memory_space<hbm>>) target(%arg9 : memref<64x128xf32, #tpu.memory_space<vmem>>) offsets(%dma_start3A_976 : memref<64xi32, #tpu.memory_space<vmem>>) semaphore(%arg19 : memref<!tpu.dma_semaphore, #tpu.memory_space<semaphore_mem>>)
        %dma_wait3A_980 = arith.constant 0 : i32
        %dma_wait3A_981 = arith.constant 0 : i32
        %dma_wait3A_982 = tpu.memref_slice %arg4[%dma_wait3A_980, %mul3A_2, %dma_wait3A_981] : memref<50x4096x128xf32, #tpu.memory_space<hbm>> -> memref<1x64x128xf32, #tpu.memory_space<hbm>>
        %dma_wait3A_983 = tpu.memref_squeeze %dma_wait3A_982 : memref<1x64x128xf32, #tpu.memory_space<hbm>> -> memref<64x128xf32, #tpu.memory_space<hbm>>
        %dma_wait3A_984 = arith.constant 0 : i32
        %dma_wait3A_985 = tpu.memref_slice %arg4[%dma_wait3A_980, %mul3A_2, %dma_wait3A_984] : memref<50x4096x128xf32, #tpu.memory_space<hbm>> -> memref<1x64x128xf32, #tpu.memory_space<hbm>>
        %dma_wait3A_986 = tpu.memref_squeeze %dma_wait3A_985 : memref<1x64x128xf32, #tpu.memory_space<hbm>> -> memref<64x128xf32, #tpu.memory_space<hbm>>
        tpu.wait_dma2 semaphore(%arg30 : memref<!tpu.dma_semaphore, #tpu.memory_space<semaphore_mem>>) src(%arg10 : memref<64x128xf32, #tpu.memory_space<vmem>>) dst(%dma_wait3A_986 : memref<64x128xf32, #tpu.memory_space<hbm>>)
        %add3A_987 = arith.constant 1 : i32
        %add3A_988 = arith.addi %scan3A_146, %add3A_987 : i32
        %mul3A_989 = arith.constant 10 : i32
        %mul3A_990 = arith.muli %add3A_988, %mul3A_989 : i32
        %add3A_991 = arith.constant 4 : i32
        %add3A_992 = arith.addi %mul3A_990, %add3A_991 : i32
        %jit3A_993 = arith.constant 2 : i32
        %div3A_994 = arith.divsi %add3A_992, %jit3A_993 : i32
        %sign3A_995 = arith.constant 0 : i32
        %sign3A_996 = arith.cmpi sgt, %add3A_992, %sign3A_995 : i32
        %sign3A_997 = arith.extui %sign3A_996 : i1 to i32
        %sign3A_998 = arith.constant 0 : i32
        %sign3A_999 = arith.cmpi slt, %add3A_992, %sign3A_998 : i32
        %sign3A_1000 = arith.extui %sign3A_999 : i1 to i32
        %sign3A_1001 = arith.subi %sign3A_997, %sign3A_1000 : i32
        %sign3A_1002 = arith.constant 0 : i32
        %sign3A_1003 = arith.cmpi sgt, %jit3A_993, %sign3A_1002 : i32
        %sign3A_1004 = arith.extui %sign3A_1003 : i1 to i32
        %sign3A_1005 = arith.constant 0 : i32
        %sign3A_1006 = arith.cmpi slt, %jit3A_993, %sign3A_1005 : i32
        %sign3A_1007 = arith.extui %sign3A_1006 : i1 to i32
        %sign3A_1008 = arith.subi %sign3A_1004, %sign3A_1007 : i32
        %ne3A_1009 = arith.cmpi ne, %sign3A_1001, %sign3A_1008 : i32
        %rem3A_1010 = arith.remsi %add3A_992, %jit3A_993 : i32
        %ne3A_1011 = arith.constant 0 : i32
        %ne3A_1012 = arith.cmpi ne, %rem3A_1010, %ne3A_1011 : i32
        %and3A_1013 = arith.andi %ne3A_1009, %ne3A_1012 : i1
        %sub3A_1014 = arith.constant 1 : i32
        %sub3A_1015 = arith.subi %div3A_994, %sub3A_1014 : i32
        %select_n3A_1016 = arith.select %and3A_1013, %sub3A_1015, %div3A_994 : i32
        %jit3A_1017 = arith.constant 2 : i32
        %eq3A_1018 = arith.constant 0 : i32
        %eq3A_1019 = arith.cmpi eq, %jit3A_1017, %eq3A_1018 : i32
        %jit3A_1020 = arith.constant 1 : i32
        %select_n3A_1021 = arith.select %eq3A_1019, %jit3A_1020, %jit3A_1017 : i32
        %rem3A_1022 = arith.remsi %add3A_992, %select_n3A_1021 : i32
        %ne3A_1023 = arith.constant 0 : i32
        %ne3A_1024 = arith.cmpi ne, %rem3A_1022, %ne3A_1023 : i32
        %lt3A_1025 = arith.constant 0 : i32
        %lt3A_1026 = arith.cmpi slt, %rem3A_1022, %lt3A_1025 : i32
        %lt3A_1027 = arith.constant 0 : i32
        %lt3A_1028 = arith.cmpi slt, %select_n3A_1021, %lt3A_1027 : i32
        %ne3A_1029 = arith.xori %lt3A_1026, %lt3A_1028 : i1
        %and3A_1030 = arith.andi %ne3A_1029, %ne3A_1024 : i1
        %add3A_1031 = arith.addi %rem3A_1022, %select_n3A_1021 : i32
        %select_n3A_1032 = arith.select %and3A_1030, %add3A_1031, %rem3A_1022 : i32
        %mul3A_1033 = arith.constant 64 : i32
        %mul3A_1034 = arith.muli %select_n3A_1032, %mul3A_1033 : i32
        %dma_start3A_1035 = tpu.memref_slice %arg5[%select_n3A_1016, %mul3A_1034] : memref<50x128xi32, #tpu.memory_space<vmem>> -> memref<1x64xi32, #tpu.memory_space<vmem>>
        %dma_start3A_1036 = tpu.memref_squeeze %dma_start3A_1035 : memref<1x64xi32, #tpu.memory_space<vmem>> -> memref<64xi32, #tpu.memory_space<vmem>>
        %dma_start3A_1037 = arith.constant 0 : i32
        %dma_start3A_1038 = arith.constant 0 : i32
        %dma_start3A_1039 = tpu.memref_slice %arg3[%dma_start3A_1037, %dma_start3A_1038] : memref<100000x128xf32, #tpu.memory_space<hbm>> -> memref<100000x128xf32, #tpu.memory_space<hbm>>
        tpu.enqueue_indirect_dma source(%dma_start3A_1039 : memref<100000x128xf32, #tpu.memory_space<hbm>>) target(%arg10 : memref<64x128xf32, #tpu.memory_space<vmem>>) offsets(%dma_start3A_1036 : memref<64xi32, #tpu.memory_space<vmem>>) semaphore(%arg20 : memref<!tpu.dma_semaphore, #tpu.memory_space<semaphore_mem>>)
        %dma_wait3A_1040 = arith.constant 0 : i32
        %dma_wait3A_1041 = arith.constant 0 : i32
        %dma_wait3A_1042 = tpu.memref_slice %arg4[%dma_wait3A_1040, %mul3A_2, %dma_wait3A_1041] : memref<50x4096x128xf32, #tpu.memory_space<hbm>> -> memref<1x64x128xf32, #tpu.memory_space<hbm>>
        %dma_wait3A_1043 = tpu.memref_squeeze %dma_wait3A_1042 : memref<1x64x128xf32, #tpu.memory_space<hbm>> -> memref<64x128xf32, #tpu.memory_space<hbm>>
        %dma_wait3A_1044 = arith.constant 0 : i32
        %dma_wait3A_1045 = tpu.memref_slice %arg4[%dma_wait3A_1040, %mul3A_2, %dma_wait3A_1044] : memref<50x4096x128xf32, #tpu.memory_space<hbm>> -> memref<1x64x128xf32, #tpu.memory_space<hbm>>
        %dma_wait3A_1046 = tpu.memref_squeeze %dma_wait3A_1045 : memref<1x64x128xf32, #tpu.memory_space<hbm>> -> memref<64x128xf32, #tpu.memory_space<hbm>>
        tpu.wait_dma2 semaphore(%arg31 : memref<!tpu.dma_semaphore, #tpu.memory_space<semaphore_mem>>) src(%arg11 : memref<64x128xf32, #tpu.memory_space<vmem>>) dst(%dma_wait3A_1046 : memref<64x128xf32, #tpu.memory_space<hbm>>)
        %add3A_1047 = arith.constant 1 : i32
        %add3A_1048 = arith.addi %scan3A_146, %add3A_1047 : i32
        %mul3A_1049 = arith.constant 10 : i32
        %mul3A_1050 = arith.muli %add3A_1048, %mul3A_1049 : i32
        %add3A_1051 = arith.constant 5 : i32
        %add3A_1052 = arith.addi %mul3A_1050, %add3A_1051 : i32
        %jit3A_1053 = arith.constant 2 : i32
        %div3A_1054 = arith.divsi %add3A_1052, %jit3A_1053 : i32
        %sign3A_1055 = arith.constant 0 : i32
        %sign3A_1056 = arith.cmpi sgt, %add3A_1052, %sign3A_1055 : i32
        %sign3A_1057 = arith.extui %sign3A_1056 : i1 to i32
        %sign3A_1058 = arith.constant 0 : i32
        %sign3A_1059 = arith.cmpi slt, %add3A_1052, %sign3A_1058 : i32
        %sign3A_1060 = arith.extui %sign3A_1059 : i1 to i32
        %sign3A_1061 = arith.subi %sign3A_1057, %sign3A_1060 : i32
        %sign3A_1062 = arith.constant 0 : i32
        %sign3A_1063 = arith.cmpi sgt, %jit3A_1053, %sign3A_1062 : i32
        %sign3A_1064 = arith.extui %sign3A_1063 : i1 to i32
        %sign3A_1065 = arith.constant 0 : i32
        %sign3A_1066 = arith.cmpi slt, %jit3A_1053, %sign3A_1065 : i32
        %sign3A_1067 = arith.extui %sign3A_1066 : i1 to i32
        %sign3A_1068 = arith.subi %sign3A_1064, %sign3A_1067 : i32
        %ne3A_1069 = arith.cmpi ne, %sign3A_1061, %sign3A_1068 : i32
        %rem3A_1070 = arith.remsi %add3A_1052, %jit3A_1053 : i32
        %ne3A_1071 = arith.constant 0 : i32
        %ne3A_1072 = arith.cmpi ne, %rem3A_1070, %ne3A_1071 : i32
        %and3A_1073 = arith.andi %ne3A_1069, %ne3A_1072 : i1
        %sub3A_1074 = arith.constant 1 : i32
        %sub3A_1075 = arith.subi %div3A_1054, %sub3A_1074 : i32
        %select_n3A_1076 = arith.select %and3A_1073, %sub3A_1075, %div3A_1054 : i32
        %jit3A_1077 = arith.constant 2 : i32
        %eq3A_1078 = arith.constant 0 : i32
        %eq3A_1079 = arith.cmpi eq, %jit3A_1077, %eq3A_1078 : i32
        %jit3A_1080 = arith.constant 1 : i32
        %select_n3A_1081 = arith.select %eq3A_1079, %jit3A_1080, %jit3A_1077 : i32
        %rem3A_1082 = arith.remsi %add3A_1052, %select_n3A_1081 : i32
        %ne3A_1083 = arith.constant 0 : i32
        %ne3A_1084 = arith.cmpi ne, %rem3A_1082, %ne3A_1083 : i32
        %lt3A_1085 = arith.constant 0 : i32
        %lt3A_1086 = arith.cmpi slt, %rem3A_1082, %lt3A_1085 : i32
        %lt3A_1087 = arith.constant 0 : i32
        %lt3A_1088 = arith.cmpi slt, %select_n3A_1081, %lt3A_1087 : i32
        %ne3A_1089 = arith.xori %lt3A_1086, %lt3A_1088 : i1
        %and3A_1090 = arith.andi %ne3A_1089, %ne3A_1084 : i1
        %add3A_1091 = arith.addi %rem3A_1082, %select_n3A_1081 : i32
        %select_n3A_1092 = arith.select %and3A_1090, %add3A_1091, %rem3A_1082 : i32
        %mul3A_1093 = arith.constant 64 : i32
        %mul3A_1094 = arith.muli %select_n3A_1092, %mul3A_1093 : i32
        %dma_start3A_1095 = tpu.memref_slice %arg5[%select_n3A_1076, %mul3A_1094] : memref<50x128xi32, #tpu.memory_space<vmem>> -> memref<1x64xi32, #tpu.memory_space<vmem>>
        %dma_start3A_1096 = tpu.memref_squeeze %dma_start3A_1095 : memref<1x64xi32, #tpu.memory_space<vmem>> -> memref<64xi32, #tpu.memory_space<vmem>>
        %dma_start3A_1097 = arith.constant 0 : i32
        %dma_start3A_1098 = arith.constant 0 : i32
        %dma_start3A_1099 = tpu.memref_slice %arg3[%dma_start3A_1097, %dma_start3A_1098] : memref<100000x128xf32, #tpu.memory_space<hbm>> -> memref<100000x128xf32, #tpu.memory_space<hbm>>
        tpu.enqueue_indirect_dma source(%dma_start3A_1099 : memref<100000x128xf32, #tpu.memory_space<hbm>>) target(%arg11 : memref<64x128xf32, #tpu.memory_space<vmem>>) offsets(%dma_start3A_1096 : memref<64xi32, #tpu.memory_space<vmem>>) semaphore(%arg21 : memref<!tpu.dma_semaphore, #tpu.memory_space<semaphore_mem>>)
        %dma_wait3A_1100 = arith.constant 0 : i32
        %dma_wait3A_1101 = arith.constant 0 : i32
        %dma_wait3A_1102 = tpu.memref_slice %arg4[%dma_wait3A_1100, %mul3A_2, %dma_wait3A_1101] : memref<50x4096x128xf32, #tpu.memory_space<hbm>> -> memref<1x64x128xf32, #tpu.memory_space<hbm>>
        %dma_wait3A_1103 = tpu.memref_squeeze %dma_wait3A_1102 : memref<1x64x128xf32, #tpu.memory_space<hbm>> -> memref<64x128xf32, #tpu.memory_space<hbm>>
        %dma_wait3A_1104 = arith.constant 0 : i32
        %dma_wait3A_1105 = tpu.memref_slice %arg4[%dma_wait3A_1100, %mul3A_2, %dma_wait3A_1104] : memref<50x4096x128xf32, #tpu.memory_space<hbm>> -> memref<1x64x128xf32, #tpu.memory_space<hbm>>
        %dma_wait3A_1106 = tpu.memref_squeeze %dma_wait3A_1105 : memref<1x64x128xf32, #tpu.memory_space<hbm>> -> memref<64x128xf32, #tpu.memory_space<hbm>>
        tpu.wait_dma2 semaphore(%arg32 : memref<!tpu.dma_semaphore, #tpu.memory_space<semaphore_mem>>) src(%arg12 : memref<64x128xf32, #tpu.memory_space<vmem>>) dst(%dma_wait3A_1106 : memref<64x128xf32, #tpu.memory_space<hbm>>)
        %add3A_1107 = arith.constant 1 : i32
        %add3A_1108 = arith.addi %scan3A_146, %add3A_1107 : i32
        %mul3A_1109 = arith.constant 10 : i32
        %mul3A_1110 = arith.muli %add3A_1108, %mul3A_1109 : i32
        %add3A_1111 = arith.constant 6 : i32
        %add3A_1112 = arith.addi %mul3A_1110, %add3A_1111 : i32
        %jit3A_1113 = arith.constant 2 : i32
        %div3A_1114 = arith.divsi %add3A_1112, %jit3A_1113 : i32
        %sign3A_1115 = arith.constant 0 : i32
        %sign3A_1116 = arith.cmpi sgt, %add3A_1112, %sign3A_1115 : i32
        %sign3A_1117 = arith.extui %sign3A_1116 : i1 to i32
        %sign3A_1118 = arith.constant 0 : i32
        %sign3A_1119 = arith.cmpi slt, %add3A_1112, %sign3A_1118 : i32
        %sign3A_1120 = arith.extui %sign3A_1119 : i1 to i32
        %sign3A_1121 = arith.subi %sign3A_1117, %sign3A_1120 : i32
        %sign3A_1122 = arith.constant 0 : i32
        %sign3A_1123 = arith.cmpi sgt, %jit3A_1113, %sign3A_1122 : i32
        %sign3A_1124 = arith.extui %sign3A_1123 : i1 to i32
        %sign3A_1125 = arith.constant 0 : i32
        %sign3A_1126 = arith.cmpi slt, %jit3A_1113, %sign3A_1125 : i32
        %sign3A_1127 = arith.extui %sign3A_1126 : i1 to i32
        %sign3A_1128 = arith.subi %sign3A_1124, %sign3A_1127 : i32
        %ne3A_1129 = arith.cmpi ne, %sign3A_1121, %sign3A_1128 : i32
        %rem3A_1130 = arith.remsi %add3A_1112, %jit3A_1113 : i32
        %ne3A_1131 = arith.constant 0 : i32
        %ne3A_1132 = arith.cmpi ne, %rem3A_1130, %ne3A_1131 : i32
        %and3A_1133 = arith.andi %ne3A_1129, %ne3A_1132 : i1
        %sub3A_1134 = arith.constant 1 : i32
        %sub3A_1135 = arith.subi %div3A_1114, %sub3A_1134 : i32
        %select_n3A_1136 = arith.select %and3A_1133, %sub3A_1135, %div3A_1114 : i32
        %jit3A_1137 = arith.constant 2 : i32
        %eq3A_1138 = arith.constant 0 : i32
        %eq3A_1139 = arith.cmpi eq, %jit3A_1137, %eq3A_1138 : i32
        %jit3A_1140 = arith.constant 1 : i32
        %select_n3A_1141 = arith.select %eq3A_1139, %jit3A_1140, %jit3A_1137 : i32
        %rem3A_1142 = arith.remsi %add3A_1112, %select_n3A_1141 : i32
        %ne3A_1143 = arith.constant 0 : i32
        %ne3A_1144 = arith.cmpi ne, %rem3A_1142, %ne3A_1143 : i32
        %lt3A_1145 = arith.constant 0 : i32
        %lt3A_1146 = arith.cmpi slt, %rem3A_1142, %lt3A_1145 : i32
        %lt3A_1147 = arith.constant 0 : i32
        %lt3A_1148 = arith.cmpi slt, %select_n3A_1141, %lt3A_1147 : i32
        %ne3A_1149 = arith.xori %lt3A_1146, %lt3A_1148 : i1
        %and3A_1150 = arith.andi %ne3A_1149, %ne3A_1144 : i1
        %add3A_1151 = arith.addi %rem3A_1142, %select_n3A_1141 : i32
        %select_n3A_1152 = arith.select %and3A_1150, %add3A_1151, %rem3A_1142 : i32
        %mul3A_1153 = arith.constant 64 : i32
        %mul3A_1154 = arith.muli %select_n3A_1152, %mul3A_1153 : i32
        %dma_start3A_1155 = tpu.memref_slice %arg5[%select_n3A_1136, %mul3A_1154] : memref<50x128xi32, #tpu.memory_space<vmem>> -> memref<1x64xi32, #tpu.memory_space<vmem>>
        %dma_start3A_1156 = tpu.memref_squeeze %dma_start3A_1155 : memref<1x64xi32, #tpu.memory_space<vmem>> -> memref<64xi32, #tpu.memory_space<vmem>>
        %dma_start3A_1157 = arith.constant 0 : i32
        %dma_start3A_1158 = arith.constant 0 : i32
        %dma_start3A_1159 = tpu.memref_slice %arg3[%dma_start3A_1157, %dma_start3A_1158] : memref<100000x128xf32, #tpu.memory_space<hbm>> -> memref<100000x128xf32, #tpu.memory_space<hbm>>
        tpu.enqueue_indirect_dma source(%dma_start3A_1159 : memref<100000x128xf32, #tpu.memory_space<hbm>>) target(%arg12 : memref<64x128xf32, #tpu.memory_space<vmem>>) offsets(%dma_start3A_1156 : memref<64xi32, #tpu.memory_space<vmem>>) semaphore(%arg22 : memref<!tpu.dma_semaphore, #tpu.memory_space<semaphore_mem>>)
        %dma_wait3A_1160 = arith.constant 0 : i32
        %dma_wait3A_1161 = arith.constant 0 : i32
        %dma_wait3A_1162 = tpu.memref_slice %arg4[%dma_wait3A_1160, %mul3A_2, %dma_wait3A_1161] : memref<50x4096x128xf32, #tpu.memory_space<hbm>> -> memref<1x64x128xf32, #tpu.memory_space<hbm>>
        %dma_wait3A_1163 = tpu.memref_squeeze %dma_wait3A_1162 : memref<1x64x128xf32, #tpu.memory_space<hbm>> -> memref<64x128xf32, #tpu.memory_space<hbm>>
        %dma_wait3A_1164 = arith.constant 0 : i32
        %dma_wait3A_1165 = tpu.memref_slice %arg4[%dma_wait3A_1160, %mul3A_2, %dma_wait3A_1164] : memref<50x4096x128xf32, #tpu.memory_space<hbm>> -> memref<1x64x128xf32, #tpu.memory_space<hbm>>
        %dma_wait3A_1166 = tpu.memref_squeeze %dma_wait3A_1165 : memref<1x64x128xf32, #tpu.memory_space<hbm>> -> memref<64x128xf32, #tpu.memory_space<hbm>>
        tpu.wait_dma2 semaphore(%arg33 : memref<!tpu.dma_semaphore, #tpu.memory_space<semaphore_mem>>) src(%arg13 : memref<64x128xf32, #tpu.memory_space<vmem>>) dst(%dma_wait3A_1166 : memref<64x128xf32, #tpu.memory_space<hbm>>)
        %add3A_1167 = arith.constant 1 : i32
        %add3A_1168 = arith.addi %scan3A_146, %add3A_1167 : i32
        %mul3A_1169 = arith.constant 10 : i32
        %mul3A_1170 = arith.muli %add3A_1168, %mul3A_1169 : i32
        %add3A_1171 = arith.constant 7 : i32
        %add3A_1172 = arith.addi %mul3A_1170, %add3A_1171 : i32
        %jit3A_1173 = arith.constant 2 : i32
        %div3A_1174 = arith.divsi %add3A_1172, %jit3A_1173 : i32
        %sign3A_1175 = arith.constant 0 : i32
        %sign3A_1176 = arith.cmpi sgt, %add3A_1172, %sign3A_1175 : i32
        %sign3A_1177 = arith.extui %sign3A_1176 : i1 to i32
        %sign3A_1178 = arith.constant 0 : i32
        %sign3A_1179 = arith.cmpi slt, %add3A_1172, %sign3A_1178 : i32
        %sign3A_1180 = arith.extui %sign3A_1179 : i1 to i32
        %sign3A_1181 = arith.subi %sign3A_1177, %sign3A_1180 : i32
        %sign3A_1182 = arith.constant 0 : i32
        %sign3A_1183 = arith.cmpi sgt, %jit3A_1173, %sign3A_1182 : i32
        %sign3A_1184 = arith.extui %sign3A_1183 : i1 to i32
        %sign3A_1185 = arith.constant 0 : i32
        %sign3A_1186 = arith.cmpi slt, %jit3A_1173, %sign3A_1185 : i32
        %sign3A_1187 = arith.extui %sign3A_1186 : i1 to i32
        %sign3A_1188 = arith.subi %sign3A_1184, %sign3A_1187 : i32
        %ne3A_1189 = arith.cmpi ne, %sign3A_1181, %sign3A_1188 : i32
        %rem3A_1190 = arith.remsi %add3A_1172, %jit3A_1173 : i32
        %ne3A_1191 = arith.constant 0 : i32
        %ne3A_1192 = arith.cmpi ne, %rem3A_1190, %ne3A_1191 : i32
        %and3A_1193 = arith.andi %ne3A_1189, %ne3A_1192 : i1
        %sub3A_1194 = arith.constant 1 : i32
        %sub3A_1195 = arith.subi %div3A_1174, %sub3A_1194 : i32
        %select_n3A_1196 = arith.select %and3A_1193, %sub3A_1195, %div3A_1174 : i32
        %jit3A_1197 = arith.constant 2 : i32
        %eq3A_1198 = arith.constant 0 : i32
        %eq3A_1199 = arith.cmpi eq, %jit3A_1197, %eq3A_1198 : i32
        %jit3A_1200 = arith.constant 1 : i32
        %select_n3A_1201 = arith.select %eq3A_1199, %jit3A_1200, %jit3A_1197 : i32
        %rem3A_1202 = arith.remsi %add3A_1172, %select_n3A_1201 : i32
        %ne3A_1203 = arith.constant 0 : i32
        %ne3A_1204 = arith.cmpi ne, %rem3A_1202, %ne3A_1203 : i32
        %lt3A_1205 = arith.constant 0 : i32
        %lt3A_1206 = arith.cmpi slt, %rem3A_1202, %lt3A_1205 : i32
        %lt3A_1207 = arith.constant 0 : i32
        %lt3A_1208 = arith.cmpi slt, %select_n3A_1201, %lt3A_1207 : i32
        %ne3A_1209 = arith.xori %lt3A_1206, %lt3A_1208 : i1
        %and3A_1210 = arith.andi %ne3A_1209, %ne3A_1204 : i1
        %add3A_1211 = arith.addi %rem3A_1202, %select_n3A_1201 : i32
        %select_n3A_1212 = arith.select %and3A_1210, %add3A_1211, %rem3A_1202 : i32
        %mul3A_1213 = arith.constant 64 : i32
        %mul3A_1214 = arith.muli %select_n3A_1212, %mul3A_1213 : i32
        %dma_start3A_1215 = tpu.memref_slice %arg5[%select_n3A_1196, %mul3A_1214] : memref<50x128xi32, #tpu.memory_space<vmem>> -> memref<1x64xi32, #tpu.memory_space<vmem>>
        %dma_start3A_1216 = tpu.memref_squeeze %dma_start3A_1215 : memref<1x64xi32, #tpu.memory_space<vmem>> -> memref<64xi32, #tpu.memory_space<vmem>>
        %dma_start3A_1217 = arith.constant 0 : i32
        %dma_start3A_1218 = arith.constant 0 : i32
        %dma_start3A_1219 = tpu.memref_slice %arg3[%dma_start3A_1217, %dma_start3A_1218] : memref<100000x128xf32, #tpu.memory_space<hbm>> -> memref<100000x128xf32, #tpu.memory_space<hbm>>
        tpu.enqueue_indirect_dma source(%dma_start3A_1219 : memref<100000x128xf32, #tpu.memory_space<hbm>>) target(%arg13 : memref<64x128xf32, #tpu.memory_space<vmem>>) offsets(%dma_start3A_1216 : memref<64xi32, #tpu.memory_space<vmem>>) semaphore(%arg23 : memref<!tpu.dma_semaphore, #tpu.memory_space<semaphore_mem>>)
        %dma_wait3A_1220 = arith.constant 0 : i32
        %dma_wait3A_1221 = arith.constant 0 : i32
        %dma_wait3A_1222 = tpu.memref_slice %arg4[%dma_wait3A_1220, %mul3A_2, %dma_wait3A_1221] : memref<50x4096x128xf32, #tpu.memory_space<hbm>> -> memref<1x64x128xf32, #tpu.memory_space<hbm>>
        %dma_wait3A_1223 = tpu.memref_squeeze %dma_wait3A_1222 : memref<1x64x128xf32, #tpu.memory_space<hbm>> -> memref<64x128xf32, #tpu.memory_space<hbm>>
        %dma_wait3A_1224 = arith.constant 0 : i32
        %dma_wait3A_1225 = tpu.memref_slice %arg4[%dma_wait3A_1220, %mul3A_2, %dma_wait3A_1224] : memref<50x4096x128xf32, #tpu.memory_space<hbm>> -> memref<1x64x128xf32, #tpu.memory_space<hbm>>
        %dma_wait3A_1226 = tpu.memref_squeeze %dma_wait3A_1225 : memref<1x64x128xf32, #tpu.memory_space<hbm>> -> memref<64x128xf32, #tpu.memory_space<hbm>>
        tpu.wait_dma2 semaphore(%arg34 : memref<!tpu.dma_semaphore, #tpu.memory_space<semaphore_mem>>) src(%arg14 : memref<64x128xf32, #tpu.memory_space<vmem>>) dst(%dma_wait3A_1226 : memref<64x128xf32, #tpu.memory_space<hbm>>)
        %add3A_1227 = arith.constant 1 : i32
        %add3A_1228 = arith.addi %scan3A_146, %add3A_1227 : i32
        %mul3A_1229 = arith.constant 10 : i32
        %mul3A_1230 = arith.muli %add3A_1228, %mul3A_1229 : i32
        %add3A_1231 = arith.constant 8 : i32
        %add3A_1232 = arith.addi %mul3A_1230, %add3A_1231 : i32
        %jit3A_1233 = arith.constant 2 : i32
        %div3A_1234 = arith.divsi %add3A_1232, %jit3A_1233 : i32
        %sign3A_1235 = arith.constant 0 : i32
        %sign3A_1236 = arith.cmpi sgt, %add3A_1232, %sign3A_1235 : i32
        %sign3A_1237 = arith.extui %sign3A_1236 : i1 to i32
        %sign3A_1238 = arith.constant 0 : i32
        %sign3A_1239 = arith.cmpi slt, %add3A_1232, %sign3A_1238 : i32
        %sign3A_1240 = arith.extui %sign3A_1239 : i1 to i32
        %sign3A_1241 = arith.subi %sign3A_1237, %sign3A_1240 : i32
        %sign3A_1242 = arith.constant 0 : i32
        %sign3A_1243 = arith.cmpi sgt, %jit3A_1233, %sign3A_1242 : i32
        %sign3A_1244 = arith.extui %sign3A_1243 : i1 to i32
        %sign3A_1245 = arith.constant 0 : i32
        %sign3A_1246 = arith.cmpi slt, %jit3A_1233, %sign3A_1245 : i32
        %sign3A_1247 = arith.extui %sign3A_1246 : i1 to i32
        %sign3A_1248 = arith.subi %sign3A_1244, %sign3A_1247 : i32
        %ne3A_1249 = arith.cmpi ne, %sign3A_1241, %sign3A_1248 : i32
        %rem3A_1250 = arith.remsi %add3A_1232, %jit3A_1233 : i32
        %ne3A_1251 = arith.constant 0 : i32
        %ne3A_1252 = arith.cmpi ne, %rem3A_1250, %ne3A_1251 : i32
        %and3A_1253 = arith.andi %ne3A_1249, %ne3A_1252 : i1
        %sub3A_1254 = arith.constant 1 : i32
        %sub3A_1255 = arith.subi %div3A_1234, %sub3A_1254 : i32
        %select_n3A_1256 = arith.select %and3A_1253, %sub3A_1255, %div3A_1234 : i32
        %jit3A_1257 = arith.constant 2 : i32
        %eq3A_1258 = arith.constant 0 : i32
        %eq3A_1259 = arith.cmpi eq, %jit3A_1257, %eq3A_1258 : i32
        %jit3A_1260 = arith.constant 1 : i32
        %select_n3A_1261 = arith.select %eq3A_1259, %jit3A_1260, %jit3A_1257 : i32
        %rem3A_1262 = arith.remsi %add3A_1232, %select_n3A_1261 : i32
        %ne3A_1263 = arith.constant 0 : i32
        %ne3A_1264 = arith.cmpi ne, %rem3A_1262, %ne3A_1263 : i32
        %lt3A_1265 = arith.constant 0 : i32
        %lt3A_1266 = arith.cmpi slt, %rem3A_1262, %lt3A_1265 : i32
        %lt3A_1267 = arith.constant 0 : i32
        %lt3A_1268 = arith.cmpi slt, %select_n3A_1261, %lt3A_1267 : i32
        %ne3A_1269 = arith.xori %lt3A_1266, %lt3A_1268 : i1
        %and3A_1270 = arith.andi %ne3A_1269, %ne3A_1264 : i1
        %add3A_1271 = arith.addi %rem3A_1262, %select_n3A_1261 : i32
        %select_n3A_1272 = arith.select %and3A_1270, %add3A_1271, %rem3A_1262 : i32
        %mul3A_1273 = arith.constant 64 : i32
        %mul3A_1274 = arith.muli %select_n3A_1272, %mul3A_1273 : i32
        %dma_start3A_1275 = tpu.memref_slice %arg5[%select_n3A_1256, %mul3A_1274] : memref<50x128xi32, #tpu.memory_space<vmem>> -> memref<1x64xi32, #tpu.memory_space<vmem>>
        %dma_start3A_1276 = tpu.memref_squeeze %dma_start3A_1275 : memref<1x64xi32, #tpu.memory_space<vmem>> -> memref<64xi32, #tpu.memory_space<vmem>>
        %dma_start3A_1277 = arith.constant 0 : i32
        %dma_start3A_1278 = arith.constant 0 : i32
        %dma_start3A_1279 = tpu.memref_slice %arg3[%dma_start3A_1277, %dma_start3A_1278] : memref<100000x128xf32, #tpu.memory_space<hbm>> -> memref<100000x128xf32, #tpu.memory_space<hbm>>
        tpu.enqueue_indirect_dma source(%dma_start3A_1279 : memref<100000x128xf32, #tpu.memory_space<hbm>>) target(%arg14 : memref<64x128xf32, #tpu.memory_space<vmem>>) offsets(%dma_start3A_1276 : memref<64xi32, #tpu.memory_space<vmem>>) semaphore(%arg24 : memref<!tpu.dma_semaphore, #tpu.memory_space<semaphore_mem>>)
        %dma_wait3A_1280 = arith.constant 0 : i32
        %dma_wait3A_1281 = arith.constant 0 : i32
        %dma_wait3A_1282 = tpu.memref_slice %arg4[%dma_wait3A_1280, %mul3A_2, %dma_wait3A_1281] : memref<50x4096x128xf32, #tpu.memory_space<hbm>> -> memref<1x64x128xf32, #tpu.memory_space<hbm>>
        %dma_wait3A_1283 = tpu.memref_squeeze %dma_wait3A_1282 : memref<1x64x128xf32, #tpu.memory_space<hbm>> -> memref<64x128xf32, #tpu.memory_space<hbm>>
        %dma_wait3A_1284 = arith.constant 0 : i32
        %dma_wait3A_1285 = tpu.memref_slice %arg4[%dma_wait3A_1280, %mul3A_2, %dma_wait3A_1284] : memref<50x4096x128xf32, #tpu.memory_space<hbm>> -> memref<1x64x128xf32, #tpu.memory_space<hbm>>
        %dma_wait3A_1286 = tpu.memref_squeeze %dma_wait3A_1285 : memref<1x64x128xf32, #tpu.memory_space<hbm>> -> memref<64x128xf32, #tpu.memory_space<hbm>>
        tpu.wait_dma2 semaphore(%arg35 : memref<!tpu.dma_semaphore, #tpu.memory_space<semaphore_mem>>) src(%arg15 : memref<64x128xf32, #tpu.memory_space<vmem>>) dst(%dma_wait3A_1286 : memref<64x128xf32, #tpu.memory_space<hbm>>)
        %add3A_1287 = arith.constant 1 : i32
        %add3A_1288 = arith.addi %scan3A_146, %add3A_1287 : i32
        %mul3A_1289 = arith.constant 10 : i32
        %mul3A_1290 = arith.muli %add3A_1288, %mul3A_1289 : i32
        %add3A_1291 = arith.constant 9 : i32
        %add3A_1292 = arith.addi %mul3A_1290, %add3A_1291 : i32
        %jit3A_1293 = arith.constant 2 : i32
        %div3A_1294 = arith.divsi %add3A_1292, %jit3A_1293 : i32
        %sign3A_1295 = arith.constant 0 : i32
        %sign3A_1296 = arith.cmpi sgt, %add3A_1292, %sign3A_1295 : i32
        %sign3A_1297 = arith.extui %sign3A_1296 : i1 to i32
        %sign3A_1298 = arith.constant 0 : i32
        %sign3A_1299 = arith.cmpi slt, %add3A_1292, %sign3A_1298 : i32
        %sign3A_1300 = arith.extui %sign3A_1299 : i1 to i32
        %sign3A_1301 = arith.subi %sign3A_1297, %sign3A_1300 : i32
        %sign3A_1302 = arith.constant 0 : i32
        %sign3A_1303 = arith.cmpi sgt, %jit3A_1293, %sign3A_1302 : i32
        %sign3A_1304 = arith.extui %sign3A_1303 : i1 to i32
        %sign3A_1305 = arith.constant 0 : i32
        %sign3A_1306 = arith.cmpi slt, %jit3A_1293, %sign3A_1305 : i32
        %sign3A_1307 = arith.extui %sign3A_1306 : i1 to i32
        %sign3A_1308 = arith.subi %sign3A_1304, %sign3A_1307 : i32
        %ne3A_1309 = arith.cmpi ne, %sign3A_1301, %sign3A_1308 : i32
        %rem3A_1310 = arith.remsi %add3A_1292, %jit3A_1293 : i32
        %ne3A_1311 = arith.constant 0 : i32
        %ne3A_1312 = arith.cmpi ne, %rem3A_1310, %ne3A_1311 : i32
        %and3A_1313 = arith.andi %ne3A_1309, %ne3A_1312 : i1
        %sub3A_1314 = arith.constant 1 : i32
        %sub3A_1315 = arith.subi %div3A_1294, %sub3A_1314 : i32
        %select_n3A_1316 = arith.select %and3A_1313, %sub3A_1315, %div3A_1294 : i32
        %jit3A_1317 = arith.constant 2 : i32
        %eq3A_1318 = arith.constant 0 : i32
        %eq3A_1319 = arith.cmpi eq, %jit3A_1317, %eq3A_1318 : i32
        %jit3A_1320 = arith.constant 1 : i32
        %select_n3A_1321 = arith.select %eq3A_1319, %jit3A_1320, %jit3A_1317 : i32
        %rem3A_1322 = arith.remsi %add3A_1292, %select_n3A_1321 : i32
        %ne3A_1323 = arith.constant 0 : i32
        %ne3A_1324 = arith.cmpi ne, %rem3A_1322, %ne3A_1323 : i32
        %lt3A_1325 = arith.constant 0 : i32
        %lt3A_1326 = arith.cmpi slt, %rem3A_1322, %lt3A_1325 : i32
        %lt3A_1327 = arith.constant 0 : i32
        %lt3A_1328 = arith.cmpi slt, %select_n3A_1321, %lt3A_1327 : i32
        %ne3A_1329 = arith.xori %lt3A_1326, %lt3A_1328 : i1
        %and3A_1330 = arith.andi %ne3A_1329, %ne3A_1324 : i1
        %add3A_1331 = arith.addi %rem3A_1322, %select_n3A_1321 : i32
        %select_n3A_1332 = arith.select %and3A_1330, %add3A_1331, %rem3A_1322 : i32
        %mul3A_1333 = arith.constant 64 : i32
        %mul3A_1334 = arith.muli %select_n3A_1332, %mul3A_1333 : i32
        %dma_start3A_1335 = tpu.memref_slice %arg5[%select_n3A_1316, %mul3A_1334] : memref<50x128xi32, #tpu.memory_space<vmem>> -> memref<1x64xi32, #tpu.memory_space<vmem>>
        %dma_start3A_1336 = tpu.memref_squeeze %dma_start3A_1335 : memref<1x64xi32, #tpu.memory_space<vmem>> -> memref<64xi32, #tpu.memory_space<vmem>>
        %dma_start3A_1337 = arith.constant 0 : i32
        %dma_start3A_1338 = arith.constant 0 : i32
        %dma_start3A_1339 = tpu.memref_slice %arg3[%dma_start3A_1337, %dma_start3A_1338] : memref<100000x128xf32, #tpu.memory_space<hbm>> -> memref<100000x128xf32, #tpu.memory_space<hbm>>
        tpu.enqueue_indirect_dma source(%dma_start3A_1339 : memref<100000x128xf32, #tpu.memory_space<hbm>>) target(%arg15 : memref<64x128xf32, #tpu.memory_space<vmem>>) offsets(%dma_start3A_1336 : memref<64xi32, #tpu.memory_space<vmem>>) semaphore(%arg25 : memref<!tpu.dma_semaphore, #tpu.memory_space<semaphore_mem>>)
      } else {
      }
    }
    %scan3A_76 = arith.constant 10 : i32
    %dma_wait3A = arith.constant 0 : i32
    %dma_wait3A_77 = arith.constant 0 : i32
    %dma_wait3A_78 = tpu.memref_slice %arg4[%dma_wait3A, %mul3A_2, %dma_wait3A_77] : memref<50x4096x128xf32, #tpu.memory_space<hbm>> -> memref<1x64x128xf32, #tpu.memory_space<hbm>>
    %dma_wait3A_79 = tpu.memref_squeeze %dma_wait3A_78 : memref<1x64x128xf32, #tpu.memory_space<hbm>> -> memref<64x128xf32, #tpu.memory_space<hbm>>
    %dma_wait3A_80 = arith.constant 0 : i32
    %dma_wait3A_81 = tpu.memref_slice %arg4[%dma_wait3A, %mul3A_2, %dma_wait3A_80] : memref<50x4096x128xf32, #tpu.memory_space<hbm>> -> memref<1x64x128xf32, #tpu.memory_space<hbm>>
    %dma_wait3A_82 = tpu.memref_squeeze %dma_wait3A_81 : memref<1x64x128xf32, #tpu.memory_space<hbm>> -> memref<64x128xf32, #tpu.memory_space<hbm>>
    tpu.wait_dma2 semaphore(%arg26 : memref<!tpu.dma_semaphore, #tpu.memory_space<semaphore_mem>>) src(%arg6 : memref<64x128xf32, #tpu.memory_space<vmem>>) dst(%dma_wait3A_82 : memref<64x128xf32, #tpu.memory_space<hbm>>)
    %dma_wait3A_83 = arith.constant 0 : i32
    %dma_wait3A_84 = arith.constant 0 : i32
    %dma_wait3A_85 = tpu.memref_slice %arg4[%dma_wait3A_83, %mul3A_2, %dma_wait3A_84] : memref<50x4096x128xf32, #tpu.memory_space<hbm>> -> memref<1x64x128xf32, #tpu.memory_space<hbm>>
    %dma_wait3A_86 = tpu.memref_squeeze %dma_wait3A_85 : memref<1x64x128xf32, #tpu.memory_space<hbm>> -> memref<64x128xf32, #tpu.memory_space<hbm>>
    %dma_wait3A_87 = arith.constant 0 : i32
    %dma_wait3A_88 = tpu.memref_slice %arg4[%dma_wait3A_83, %mul3A_2, %dma_wait3A_87] : memref<50x4096x128xf32, #tpu.memory_space<hbm>> -> memref<1x64x128xf32, #tpu.memory_space<hbm>>
    %dma_wait3A_89 = tpu.memref_squeeze %dma_wait3A_88 : memref<1x64x128xf32, #tpu.memory_space<hbm>> -> memref<64x128xf32, #tpu.memory_space<hbm>>
    tpu.wait_dma2 semaphore(%arg27 : memref<!tpu.dma_semaphore, #tpu.memory_space<semaphore_mem>>) src(%arg7 : memref<64x128xf32, #tpu.memory_space<vmem>>) dst(%dma_wait3A_89 : memref<64x128xf32, #tpu.memory_space<hbm>>)
    %dma_wait3A_90 = arith.constant 0 : i32
    %dma_wait3A_91 = arith.constant 0 : i32
    %dma_wait3A_92 = tpu.memref_slice %arg4[%dma_wait3A_90, %mul3A_2, %dma_wait3A_91] : memref<50x4096x128xf32, #tpu.memory_space<hbm>> -> memref<1x64x128xf32, #tpu.memory_space<hbm>>
    %dma_wait3A_93 = tpu.memref_squeeze %dma_wait3A_92 : memref<1x64x128xf32, #tpu.memory_space<hbm>> -> memref<64x128xf32, #tpu.memory_space<hbm>>
    %dma_wait3A_94 = arith.constant 0 : i32
    %dma_wait3A_95 = tpu.memref_slice %arg4[%dma_wait3A_90, %mul3A_2, %dma_wait3A_94] : memref<50x4096x128xf32, #tpu.memory_space<hbm>> -> memref<1x64x128xf32, #tpu.memory_space<hbm>>
    %dma_wait3A_96 = tpu.memref_squeeze %dma_wait3A_95 : memref<1x64x128xf32, #tpu.memory_space<hbm>> -> memref<64x128xf32, #tpu.memory_space<hbm>>
    tpu.wait_dma2 semaphore(%arg28 : memref<!tpu.dma_semaphore, #tpu.memory_space<semaphore_mem>>) src(%arg8 : memref<64x128xf32, #tpu.memory_space<vmem>>) dst(%dma_wait3A_96 : memref<64x128xf32, #tpu.memory_space<hbm>>)
    %dma_wait3A_97 = arith.constant 0 : i32
    %dma_wait3A_98 = arith.constant 0 : i32
    %dma_wait3A_99 = tpu.memref_slice %arg4[%dma_wait3A_97, %mul3A_2, %dma_wait3A_98] : memref<50x4096x128xf32, #tpu.memory_space<hbm>> -> memref<1x64x128xf32, #tpu.memory_space<hbm>>
    %dma_wait3A_100 = tpu.memref_squeeze %dma_wait3A_99 : memref<1x64x128xf32, #tpu.memory_space<hbm>> -> memref<64x128xf32, #tpu.memory_space<hbm>>
    %dma_wait3A_101 = arith.constant 0 : i32
    %dma_wait3A_102 = tpu.memref_slice %arg4[%dma_wait3A_97, %mul3A_2, %dma_wait3A_101] : memref<50x4096x128xf32, #tpu.memory_space<hbm>> -> memref<1x64x128xf32, #tpu.memory_space<hbm>>
    %dma_wait3A_103 = tpu.memref_squeeze %dma_wait3A_102 : memref<1x64x128xf32, #tpu.memory_space<hbm>> -> memref<64x128xf32, #tpu.memory_space<hbm>>
    tpu.wait_dma2 semaphore(%arg29 : memref<!tpu.dma_semaphore, #tpu.memory_space<semaphore_mem>>) src(%arg9 : memref<64x128xf32, #tpu.memory_space<vmem>>) dst(%dma_wait3A_103 : memref<64x128xf32, #tpu.memory_space<hbm>>)
    %dma_wait3A_104 = arith.constant 0 : i32
    %dma_wait3A_105 = arith.constant 0 : i32
    %dma_wait3A_106 = tpu.memref_slice %arg4[%dma_wait3A_104, %mul3A_2, %dma_wait3A_105] : memref<50x4096x128xf32, #tpu.memory_space<hbm>> -> memref<1x64x128xf32, #tpu.memory_space<hbm>>
    %dma_wait3A_107 = tpu.memref_squeeze %dma_wait3A_106 : memref<1x64x128xf32, #tpu.memory_space<hbm>> -> memref<64x128xf32, #tpu.memory_space<hbm>>
    %dma_wait3A_108 = arith.constant 0 : i32
    %dma_wait3A_109 = tpu.memref_slice %arg4[%dma_wait3A_104, %mul3A_2, %dma_wait3A_108] : memref<50x4096x128xf32, #tpu.memory_space<hbm>> -> memref<1x64x128xf32, #tpu.memory_space<hbm>>
    %dma_wait3A_110 = tpu.memref_squeeze %dma_wait3A_109 : memref<1x64x128xf32, #tpu.memory_space<hbm>> -> memref<64x128xf32, #tpu.memory_space<hbm>>
    tpu.wait_dma2 semaphore(%arg30 : memref<!tpu.dma_semaphore, #tpu.memory_space<semaphore_mem>>) src(%arg10 : memref<64x128xf32, #tpu.memory_space<vmem>>) dst(%dma_wait3A_110 : memref<64x128xf32, #tpu.memory_space<hbm>>)
    %dma_wait3A_111 = arith.constant 0 : i32
    %dma_wait3A_112 = arith.constant 0 : i32
    %dma_wait3A_113 = tpu.memref_slice %arg4[%dma_wait3A_111, %mul3A_2, %dma_wait3A_112] : memref<50x4096x128xf32, #tpu.memory_space<hbm>> -> memref<1x64x128xf32, #tpu.memory_space<hbm>>
    %dma_wait3A_114 = tpu.memref_squeeze %dma_wait3A_113 : memref<1x64x128xf32, #tpu.memory_space<hbm>> -> memref<64x128xf32, #tpu.memory_space<hbm>>
    %dma_wait3A_115 = arith.constant 0 : i32
    %dma_wait3A_116 = tpu.memref_slice %arg4[%dma_wait3A_111, %mul3A_2, %dma_wait3A_115] : memref<50x4096x128xf32, #tpu.memory_space<hbm>> -> memref<1x64x128xf32, #tpu.memory_space<hbm>>
    %dma_wait3A_117 = tpu.memref_squeeze %dma_wait3A_116 : memref<1x64x128xf32, #tpu.memory_space<hbm>> -> memref<64x128xf32, #tpu.memory_space<hbm>>
    tpu.wait_dma2 semaphore(%arg31 : memref<!tpu.dma_semaphore, #tpu.memory_space<semaphore_mem>>) src(%arg11 : memref<64x128xf32, #tpu.memory_space<vmem>>) dst(%dma_wait3A_117 : memref<64x128xf32, #tpu.memory_space<hbm>>)
    %dma_wait3A_118 = arith.constant 0 : i32
    %dma_wait3A_119 = arith.constant 0 : i32
    %dma_wait3A_120 = tpu.memref_slice %arg4[%dma_wait3A_118, %mul3A_2, %dma_wait3A_119] : memref<50x4096x128xf32, #tpu.memory_space<hbm>> -> memref<1x64x128xf32, #tpu.memory_space<hbm>>
    %dma_wait3A_121 = tpu.memref_squeeze %dma_wait3A_120 : memref<1x64x128xf32, #tpu.memory_space<hbm>> -> memref<64x128xf32, #tpu.memory_space<hbm>>
    %dma_wait3A_122 = arith.constant 0 : i32
    %dma_wait3A_123 = tpu.memref_slice %arg4[%dma_wait3A_118, %mul3A_2, %dma_wait3A_122] : memref<50x4096x128xf32, #tpu.memory_space<hbm>> -> memref<1x64x128xf32, #tpu.memory_space<hbm>>
    %dma_wait3A_124 = tpu.memref_squeeze %dma_wait3A_123 : memref<1x64x128xf32, #tpu.memory_space<hbm>> -> memref<64x128xf32, #tpu.memory_space<hbm>>
    tpu.wait_dma2 semaphore(%arg32 : memref<!tpu.dma_semaphore, #tpu.memory_space<semaphore_mem>>) src(%arg12 : memref<64x128xf32, #tpu.memory_space<vmem>>) dst(%dma_wait3A_124 : memref<64x128xf32, #tpu.memory_space<hbm>>)
    %dma_wait3A_125 = arith.constant 0 : i32
    %dma_wait3A_126 = arith.constant 0 : i32
    %dma_wait3A_127 = tpu.memref_slice %arg4[%dma_wait3A_125, %mul3A_2, %dma_wait3A_126] : memref<50x4096x128xf32, #tpu.memory_space<hbm>> -> memref<1x64x128xf32, #tpu.memory_space<hbm>>
    %dma_wait3A_128 = tpu.memref_squeeze %dma_wait3A_127 : memref<1x64x128xf32, #tpu.memory_space<hbm>> -> memref<64x128xf32, #tpu.memory_space<hbm>>
    %dma_wait3A_129 = arith.constant 0 : i32
    %dma_wait3A_130 = tpu.memref_slice %arg4[%dma_wait3A_125, %mul3A_2, %dma_wait3A_129] : memref<50x4096x128xf32, #tpu.memory_space<hbm>> -> memref<1x64x128xf32, #tpu.memory_space<hbm>>
    %dma_wait3A_131 = tpu.memref_squeeze %dma_wait3A_130 : memref<1x64x128xf32, #tpu.memory_space<hbm>> -> memref<64x128xf32, #tpu.memory_space<hbm>>
    tpu.wait_dma2 semaphore(%arg33 : memref<!tpu.dma_semaphore, #tpu.memory_space<semaphore_mem>>) src(%arg13 : memref<64x128xf32, #tpu.memory_space<vmem>>) dst(%dma_wait3A_131 : memref<64x128xf32, #tpu.memory_space<hbm>>)
    %dma_wait3A_132 = arith.constant 0 : i32
    %dma_wait3A_133 = arith.constant 0 : i32
    %dma_wait3A_134 = tpu.memref_slice %arg4[%dma_wait3A_132, %mul3A_2, %dma_wait3A_133] : memref<50x4096x128xf32, #tpu.memory_space<hbm>> -> memref<1x64x128xf32, #tpu.memory_space<hbm>>
    %dma_wait3A_135 = tpu.memref_squeeze %dma_wait3A_134 : memref<1x64x128xf32, #tpu.memory_space<hbm>> -> memref<64x128xf32, #tpu.memory_space<hbm>>
    %dma_wait3A_136 = arith.constant 0 : i32
    %dma_wait3A_137 = tpu.memref_slice %arg4[%dma_wait3A_132, %mul3A_2, %dma_wait3A_136] : memref<50x4096x128xf32, #tpu.memory_space<hbm>> -> memref<1x64x128xf32, #tpu.memory_space<hbm>>
    %dma_wait3A_138 = tpu.memref_squeeze %dma_wait3A_137 : memref<1x64x128xf32, #tpu.memory_space<hbm>> -> memref<64x128xf32, #tpu.memory_space<hbm>>
    tpu.wait_dma2 semaphore(%arg34 : memref<!tpu.dma_semaphore, #tpu.memory_space<semaphore_mem>>) src(%arg14 : memref<64x128xf32, #tpu.memory_space<vmem>>) dst(%dma_wait3A_138 : memref<64x128xf32, #tpu.memory_space<hbm>>)
    %dma_wait3A_139 = arith.constant 0 : i32
    %dma_wait3A_140 = arith.constant 0 : i32
    %dma_wait3A_141 = tpu.memref_slice %arg4[%dma_wait3A_139, %mul3A_2, %dma_wait3A_140] : memref<50x4096x128xf32, #tpu.memory_space<hbm>> -> memref<1x64x128xf32, #tpu.memory_space<hbm>>
    %dma_wait3A_142 = tpu.memref_squeeze %dma_wait3A_141 : memref<1x64x128xf32, #tpu.memory_space<hbm>> -> memref<64x128xf32, #tpu.memory_space<hbm>>
    %dma_wait3A_143 = arith.constant 0 : i32
    %dma_wait3A_144 = tpu.memref_slice %arg4[%dma_wait3A_139, %mul3A_2, %dma_wait3A_143] : memref<50x4096x128xf32, #tpu.memory_space<hbm>> -> memref<1x64x128xf32, #tpu.memory_space<hbm>>
    %dma_wait3A_145 = tpu.memref_squeeze %dma_wait3A_144 : memref<1x64x128xf32, #tpu.memory_space<hbm>> -> memref<64x128xf32, #tpu.memory_space<hbm>>
    tpu.wait_dma2 semaphore(%arg35 : memref<!tpu.dma_semaphore, #tpu.memory_space<semaphore_mem>>) src(%arg15 : memref<64x128xf32, #tpu.memory_space<vmem>>) dst(%dma_wait3A_145 : memref<64x128xf32, #tpu.memory_space<hbm>>)
    return
  }
}

</mosaic_0001>

<sc_bundles>
// kernel: kernel.3.cloned.1.call-start
scs
__scs_entry_jumppad:
0x0: {  	(pc) =	sbr.rel $0x88, $3  }
0x1: {  	(tag) =	ssettag $0x0;
	lr =	simm.s32 $0x1  }
0x2: {  	[smem:$0x3F9F] =	sst lr;
	_ =	strace $0xD0000000  }
0x3: {  	_ = 	snop  }
0x4: {  	_ = 	snop  }
0x5: {  	_ = 	snop  }
0x6: {  	_ = 	snop  }
0x7: {  	_ = 	snop  }
__scs_overlays_trampoline_lowered:
0x8: {  	[smem:$0x3FAE] =	sst s0  }
0x9: {  	[smem:$0x3FAF] =	sst s1  }
0xa: {  	[smem:$0x3FB0] =	sst s2  }
0xb: {  	[smem:$0x3FB1] =	sst s3  }
0xc: {  	[smem:$0x3FB2] =	sst s4  }
0xd: {  	[smem:$0x3FB3] =	sst s5  }
0xe: {  	[smem:$0x3FB4] =	sst s6  }
0xf: {  	[smem:$0x3FB5] =	sst s7  }
0x10: {  	[smem:$0x3FB6] =	sst s8  }
0x11: {  	[smem:$0x3FB7] =	sst s9;
	s0 =	simm.s32 @!p0 $0x0  }
0x12: {  	s1 =	sld [smem:$0x3F9D];
	s0 =	simm.s32 @p0 $0x1  }
0x13: {  	[smem:$0x3FB8] =	sst s0;
	s0 =	simm.s32 @!p1 $0x0  }
0x14: {  	s2 =	sld [smem:$0x3F9C];
	s0 =	simm.s32 @p1 $0x1  }
0x15: {  	[smem:$0x3FB9] =	sst s0;
	s0 =	simm.s32 @!p2 $0x0  }
0x16: {  	s3 =	sld [smem:$0x3FDB];
	s0 =	simm.s32 @p2 $0x1  }
0x17: {  	s4 =	simm.s32 $0x1BF5;
	[smem:$0x3FBB] =	sst s0  }
0x18: {  	s0 =	sld [smem:$0x3F9E];
	_ =	swait.ge [sflag:s4], $0x0  }
0x19: {  	s7 =	sld [smem:$0x3F9F]  }
0x1a: {  	s8 =	sadd.s32 $0xFFFFE003, lr  }
0x1b: {  	s9 =	sadd.s32 $0xFFFFFEF7, lr;
	s5 =	simm.s32 $0xFFFFFFFF;
	p2 =	slt.u32 s8, $0xFFFFF086  }
0x1c: {  	p1 =	slt.u32 s9, $0xF7A;
	s5 =	simm.s32 @!p2 $0x0  }
0x1d: {  	s5 =	simm.s32 @p1 $0x1;
	p0 =	seq.s32 s7, s2  }
0x1e: {  	s7 =	smul.u32 @!p0 $0xF7A, s2;
	p2 =	seq.s32 @!p0 s5, $0x0  }
0x1f: {  	s9 =	smul.u32 $0xF7A, s1;
	s8 =	simm.s32 @!p0 $0x1BF5;
	p2 =	por !p2, p0  }
0x20: {  	[sflag:s8] =	ssyncset.s32 @!p0 $0xFFFFF086;
	s6 =	sadd.s32 @!p0 s3, s7;
	s7 =	simm.s32 @!p0 $0x108  }
0x21: {  	s3 =	sadd.s32 s3, s9;
	s6 =	sadd.s32 @!p0 $0x88, s6;
	s7 =	simm.s32 @p2 $0x1082  }
0x22: {  	[simem:s7], [sflag:s8] =	dma.local @!p0 [hbm:s6], $0xF7A  }
0x23: {  	s9 =	sor.u32 $0xD0000000, s2;
	s6 =	simm.s32 $0x108;
	_ =	swait.ge @!p0 [sflag:s8], $0x0  }
0x24: {  	s3 =	sadd.s32 $0x88, s3;
	s6 =	simm.s32 @!p1 $0x1082;
	[sflag:s4] =	ssyncset.s32 $0xFFFFF086  }
0x25: {  	[simem:s6], [sflag:s4] =	dma.local [hbm:s3], $0xF7A  }
0x26: {  	[smem:$0x3F9F] =	sst s1;
	(tag) =	ssettag s2;
	_ =	strace s9  }
0x27: {  	s1 =	sld [smem:$0x3FAF]  }
0x28: {  	s2 =	sld [smem:$0x3FB0]  }
0x29: {  	s4 =	sld [smem:$0x3FB2]  }
0x2a: {  	p0 =	seq.s32 s5, $0x0;
	s5 =	sld [smem:$0x3FB3]  }
0x2b: {  	s6 =	sld [smem:$0x3FB4]  }
0x2c: {  	s7 =	sld [smem:$0x3FB5]  }
0x2d: {  	s3 =	simm.s32 $0x108;
	s8 =	sld [smem:$0x3FB6]  }
0x2e: {  	s3 =	simm.s32 @!p0 $0x1082;
	s9 =	sld [smem:$0x3FB7]  }
0x2f: {  	lr =	sadd.s32 s0, s3;
	s0 =	sld [smem:$0x3FAE]  }
0x30: {  	s3 =	sld [smem:$0x3FB1]  }
0x31: {  	[smem:$0x3FBA] =	sst s10  }
0x32: {  	s10 =	sld [smem:$0x3FB8];
	_ =	sdelay $0x3  }
0x33: {  	p0 =	seq.s32 s10, $0x1;
	s10 =	sld [smem:$0x3FBA];
	_ =	sdelay $0x3  }
0x34: {  	[smem:$0x3FBA] =	sst s10  }
0x35: {  	s10 =	sld [smem:$0x3FB9];
	_ =	sdelay $0x3  }
0x36: {  	p1 =	seq.s32 s10, $0x1;
	s10 =	sld [smem:$0x3FBA];
	_ =	sdelay $0x3  }
0x37: {  	[smem:$0x3FBA] =	sst s10  }
0x38: {  	s10 =	sld [smem:$0x3FBB]  }
0x39: {  	_ = 	snop;
	(pc) =	sbr.ind lr, $3  }
0x3a: {  	_ = 	snop  }
0x3b: {  	_ = 	snop  }
0x3c: {  	p2 =	seq.s32 s10, $0x1;
	s10 =	sld [smem:$0x3FBA]  }
0x3d: {  	_ =	shalt  }
0x3e: {  	_ =	shalt  }
0x3f: {  	_ =	shalt  }
0x40: {  	_ =	shalt  }
0x41: {  	_ =	shalt  }
0x42: {  	_ =	shalt  }
0x43: {  	_ =	shalt  }
0x44: {  	_ =	shalt  }
0x45: {  	_ =	shalt  }
0x46: {  	_ =	shalt  }
0x47: {  	_ =	shalt  }
0x48: {  	_ =	shalt  }
0x49: {  	_ =	shalt  }
0x4a: {  	_ =	shalt  }
0x4b: {  	_ =	shalt  }
0x4c: {  	_ =	shalt  }
0x4d: {  	_ =	shalt  }
0x4e: {  	_ =	shalt  }
0x4f: {  	_ =	shalt  }
0x50: {  	_ =	shalt  }
0x51: {  	_ =	shalt  }
0x52: {  	_ =	shalt  }
0x53: {  	_ =	shalt  }
0x54: {  	_ =	shalt  }
0x55: {  	_ =	shalt  }
0x56: {  	_ =	shalt  }
0x57: {  	_ =	shalt  }
0x58: {  	_ =	shalt  }
0x59: {  	_ =	shalt  }
0x5a: {  	_ =	shalt  }
0x5b: {  	_ =	shalt  }
0x5c: {  	_ =	shalt  }
0x5d: {  	_ =	shalt  }
0x5e: {  	_ =	shalt  }
0x5f: {  	_ =	shalt  }
0x60: {  	_ =	shalt  }
0x61: {  	_ =	shalt  }
0x62: {  	_ =	shalt  }
0x63: {  	_ =	shalt  }
0x64: {  	_ =	shalt  }
0x65: {  	_ =	shalt  }
0x66: {  	_ =	shalt  }
0x67: {  	_ =	shalt  }
0x68: {  	_ =	shalt  }
0x69: {  	_ =	shalt  }
0x6a: {  	_ =	shalt  }
0x6b: {  	_ =	shalt  }
0x6c: {  	_ =	shalt  }
0x6d: {  	_ =	shalt  }
0x6e: {  	_ =	shalt  }
0x6f: {  	_ =	shalt  }
0x70: {  	_ =	shalt  }
0x71: {  	_ =	shalt  }
0x72: {  	_ =	shalt  }
0x73: {  	_ =	shalt  }
0x74: {  	_ =	shalt  }
0x75: {  	_ =	shalt  }
0x76: {  	_ =	shalt  }
0x77: {  	_ =	shalt  }
0x78: {  	_ =	shalt  }
0x79: {  	_ =	shalt  }
0x7a: {  	_ =	shalt  }
0x7b: {  	_ =	shalt  }
0x7c: {  	_ =	shalt  }
0x7d: {  	_ =	shalt  }
0x7e: {  	_ =	shalt  }
0x7f: {  	_ =	shalt  }
0x80: {  	_ =	shalt  }
0x81: {  	_ =	shalt  }
0x82: {  	_ =	shalt  }
0x83: {  	_ =	shalt  }
0x84: {  	_ =	shalt  }
0x85: {  	_ =	shalt  }
0x86: {  	_ =	shalt  }
0x87: {  	_ =	shalt  }
.Lfunc_end0:
.L_simem_size_0:
called_computation_lowered:
.L_overlay_start_0:
0x88: {  	s2 =	sld [smem:$0x3FD9]  }
0x89: {  	s3 =	sld [smem:$0x3FFE];
	_ =	sdelay $0x1  }
0x8a: {  	s1 =	srdreg.scid  }
0x8b: {  	s0 =	sand.u32 $0x1, s1  }
0x8c: {  	s18 =	sshll.u32 s0, $0xA;
	s2 =	sadd.s32 s3, s2  }
0x8d: {  	s2 =	sadd.s32 s2, s18  }
0x8e: {  	[smem:$0x3FC6] =	sst s2  }
0x8f: {  	_ = 	snop  }
0x90: {  	s2 =	sld [smem:$0x3FC9]  }
0x91: {  	s19 =	sld [smem:$0x3FC8]  }
0x92: {  	s4 =	sld [smem:$0x3FD0];
	(tm) =	ssettm $0x1  }
0x93: {  	s5 =	sld [smem:$0x3FFB];
	_ =	sdelay $0x3  }
0x94: {  	_ =	strace s5  }
0x95: {  	s5 =	sld [smem:$0x3FFC];
	_ =	sdelay $0x3  }
0x96: {  	_ =	strace s5  }
0x97: {  	s5 =	sld [smem:$0x3FFD];
	_ =	sdelay $0x3  }
0x98: {  	_ =	strace s5  }
0x99: {  	_ =	strace $0x8FFFFFFF  }
0x9a: {  	s20 =	sld [smem:$0x3FDB];
	_ =	sdelay $0x1  }
0x9b: {  	s6 =	simm.s32 $_scs_section_size  }
0x9c: {  	s7 =	simm.s32 $_size__tile_overlayer_lowered;
	s8 =	simm.s32 $_tile_overlayer_lowered  }
0x9d: {  	s23 =	simm.s32 $0x1BFF;
	s22 =	sshll.u32 s8, $0x1;
	s5 =	sadd.s32 s6, s20  }
0x9e: {  	s9 =	simm.s32 $0x0;
	s21 =	sshll.u32 s7, $0x1;
	s7 =	sadd.s32 s22, s5  }
0x9f: {  	[timem:s9], [sflag:s23] =	dma.local [hbm:s7], s21  }
0xa0: {  	_ =	swait.ge [sflag:s23], s21  }
0xa1: {  	s6 =	ssub.s32 $0x0, s21;
	[sflag:s23] =	ssyncset.done $0x0  }
0xa2: {  	[sflag:s23] =	ssyncadd.s32 s6;
	_ =	sdelay $0x1  }
0xa3: {  	s24 =	simm.s32 $0x1B8B  }
0xa4: {  	_ =	swait.ge [sflag:s24], $0x1  }
0xa5: {  	[sflag:s24] =	ssyncset.done $0x0  }
0xa6: {  	s25 =	simm.s32 $0x1B8E;
	[sflag:s24] =	ssyncadd.s32 $0xFFFFFFFF  }
0xa7: {  	s26 =	simm.s32 $execute0_lowered;
	[smem:$0x3FD2] =	sst s25  }
0xa8: {  	s6 =	sshll.u32 s26, $0x1;
	_ =	strace $0x80000046;
	[dreg:$0x1] =	wrdreg $0xFFFFFFFF  }
0xa9: {  	s28 =	simm.s32 $_size_execute0_lowered;
	s5 =	sadd.s32 s5, s6;
	[dreg:$0x0] =	wrdreg $0x0  }
0xaa: {  	s6 =	sshll.u32 s28, $0x1;
	[dreg:$0x2] =	wrdreg s5  }
0xab: {  	[dreg:$0x3] =	wrdreg s6  }
0xac: {  	[dreg:$0x4] =	wrdreg $0xC0  }
0xad: {  	_ =	task [dreg:s9], $0x5FFFF  }
0xae: {  	[dreg:$0x1] =	wrdreg $0xFFFFFFFF  }
0xaf: {  	[dreg:$0x0] =	wrdreg $0x60  }
0xb0: {  	[dreg:$0x2] =	wrdreg s2  }
0xb1: {  	[dreg:$0x3] =	wrdreg s19  }
0xb2: {  	[dreg:$0x4] =	wrdreg s4  }
0xb3: {  	[dreg:$0x5] =	wrdreg $0x9  }
0xb4: {  	_ =	task.clear_ibuf [dreg:s9], $0x6FFFF;
	_ =	strace $0x90000046  }
0xb5: {  	s29 =	simm.s32 $0x9;
	_ =	strace $0x80000048  }
0xb6: {  	_ =	swait.ge [sflag:s29], $0x1  }
0xb7: {  	[sflag:s29] =	ssyncadd.s32 $0xFFFFFFFF  }
0xb8: {  	_ =	strace $0x90000048  }
0xb9: {  	_ =	sfence  }
0xba: {  	s30 =	sld [smem:$0x0];
	_ =	sdelay $0x2  }
0xbb: {  	s31 =	sshll.u32 s1, $0xD;
	s1 =	sshrl.u32 s1, $0x2  }
0xbc: {  	s3 =	sand.u32 $0x4000, s31;
	s1 =	sadd.s32 s1, s30  }
0xbd: {  	s0 =	sor.u32 s3, s0;
	s1 =	sshll.u32 s1, $0x11  }
0xbe: {  	s0 =	sor.u32 s1, s0  }
0xbf: {  	s0 =	sadd.s32 $0x8F2B, s0  }
0xc0: {  	[sflag:s0] =	ssyncadd.remote.s32 $0x1  }
0xc1: {  	_ =	sfence.sel $0xFFFF  }
0xc2: {  	[dreg:$0x0] =	wrdreg $0xFFFFFFFF;
	(pc) =	sbr.abs _section_cstart, $3  }
0xc3: {  	[dreg:$0x1] =	wrdreg $0xFFFFFFFF  }
0xc4: {  	_ =	task.clear_ibuf [dreg:s9], $0x2FFFF;
	_ =	strace $0x9FFFFFFF  }
0xc5: {  	(tm) =	ssettm $0x7FFFFFFF  }
tec
execute0_lowered:
.L_overlay_start_1:
0x0: {  	(tag) =	ssettag $0x1  }
0x1: {  	s0 =	rddreg [dreg:$0x0]  }
0x2: {  	s1 =	rddreg [dreg:$0x1]  }
0x3: {  	s2 =	srdreg.scid;
	s4 =	simm.s32 $0x0;
	s8 =	stileid.u32  }
0x4: {  	s28 =	simm.s32 $0x5C00;
	s30 =	simm.s32 $0xFC00;
	s31 =	simm.s32 $0x11C00  }
0x5: {  	s9 =	simm.s32 $0xA;
	s10 =	simm.s32 $0xB;
	s11 =	simm.s32 $0xC  }
0x6: {  	s2 =	sand.u32 $0x1, s2;
	[smem:$0x7FF] =	sst s4;
	s6 =	sshll.u32 s8, $0x8  }
0x7: {  	s13 =	sshll.u32 s8, $0xF;
	s8 =	simm.s32 $0x9;
	s3 =	ssub.s32 $0x2, s2  }
0x8: {  	s7 =	sshll.u32 s2, $0x7;
	_ =	strace $0x80000047;
	s2 =	sshll.u32 s2, $0xE  }
0x9: {  	s5 =	sshrl.u32 s3, $0x1;
	s12 =	sor.u32 s7, s6;
	s6 =	simm.s32 $0x5  }
0xa: {  	s7 =	simm.s32 $0x6;
	s3 =	ssub.s32 s3, s5;
	s5 =	sadd.s32 s0, s12  }
0xb: {  	s0 =	sor.u32 s2, s13;
	s12 =	simm.s32 $0xD;
	s13 =	simm.s32 $0xE  }
0xc: {  	[dreg:$0x4] =	wrdreg s5;
	s5 =	sadd.s32 $0x6000, s5;
	s3 =	smax.u32 s3, $0x1  }
0xd: {  	s2 =	sor.u32 $0x202000, s0;
	s14 =	sor.u32 $0x200000, s0;
	s15 =	sor.u32 $0x182000, s0  }
0xe: {  	s18 =	sor.u32 $0x180000, s0;
	s19 =	sor.u32 $0x102000, s0;
	s20 =	sor.u32 $0x100000, s0  }
0xf: {  	s23 =	sor.u32 $0x82000, s0;
	s24 =	sor.u32 $0x80000, s0;
	[dreg:$0x5] =	wrdreg s5  }
0x10: {  	s25 =	sor.u32 $0x2000, s0;
	s0 =	sshrl.u32 s0, $0x3;
	[dreg:$0x6] =	wrdreg s3  }
0x11: {  	s2 =	sshrl.u32 s2, $0x3;
	s16 =	sshrl.u32 s14, $0x3;
	s17 =	sshrl.u32 s15, $0x3  }
0x12: {  	s21 =	sshrl.u32 s19, $0x3;
	s22 =	sshrl.u32 s20, $0x3;
	[dreg:$0x10] =	wrdreg s0  }
0x13: {  	s26 =	sshrl.u32 s24, $0x3;
	s29 =	sshrl.u32 s25, $0x3;
	[dreg:$0x7] =	wrdreg s2  }
0x14: {  	s20 =	simm.s32 $0x3C00;
	s0 =	simm.s32 $0x7C00;
	[dreg:$0x8] =	wrdreg s16  }
0x15: {  	s19 =	simm.s32 $0xBC00;
	s25 =	simm.s32 $0xDC00;
	[dreg:$0x9] =	wrdreg s17  }
0x16: {  	s5 =	simm.s32 $0x7;
	s14 =	simm.s32 $0xF;
	[dreg:$0xb] =	wrdreg s21  }
0x17: {  	s15 =	simm.s32 $0x10;
	s24 =	simm.s32 $0x14;
	[dreg:$0xc] =	wrdreg s22  }
.Ltmp0:
0x18: {  	s2 =	sshrl.u32 s18, $0x3;
	[dreg:$0xe] =	wrdreg s26;
	(pc) =	sbr.rel .LBB2_1-.Ltmp0, $4  }
0x19: {  	[dreg:$0xf] =	wrdreg s29;
	s22 =	simm.s32 $0x40;
	s18 =	simm.s32 $0x1C00  }
0x1a: {  	s21 =	simm.s32 $0x8;
	s16 =	simm.s32 $0x11;
	s17 =	simm.s32 $0x12  }
0x1b: {  	s26 =	simm.s32 $0x0;
	[dreg:$0xa] =	wrdreg s2;
	s2 =	sshrl.u32 s23, $0x3  }
0x1c: {  	s23 =	simm.s32 $0x13;
	[dreg:$0xd] =	wrdreg s2;
	s2 =	simm.s32 $0x9C00  }
.LBB2_4:
0x1d: {  	_ =	swait.ge [sflag:s11], $0x2000  }
0x1e: {  	[sflag:s11] =	ssyncset.done $0x0  }
0x1f: {  	[sflag:s11] =	ssyncadd.s32 $0xFFFFE000  }
0x20: {  	_ =	swait.ge [sflag:s12], $0x2000  }
0x21: {  	[sflag:s12] =	ssyncset.done $0x0  }
0x22: {  	[sflag:s12] =	ssyncadd.s32 $0xFFFFE000  }
0x23: {  	_ =	swait.ge [sflag:s13], $0x2000  }
0x24: {  	[sflag:s13] =	ssyncset.done $0x0  }
0x25: {  	[sflag:s13] =	ssyncadd.s32 $0xFFFFE000  }
0x26: {  	_ =	swait.ge [sflag:s14], $0x2000  }
0x27: {  	[sflag:s14] =	ssyncset.done $0x0  }
0x28: {  	[sflag:s14] =	ssyncadd.s32 $0xFFFFE000  }
0x29: {  	_ =	swait.ge [sflag:s15], $0x2000  }
0x2a: {  	[sflag:s15] =	ssyncset.done $0x0  }
0x2b: {  	[sflag:s15] =	ssyncadd.s32 $0xFFFFE000  }
0x2c: {  	_ =	swait.ge [sflag:s16], $0x2000  }
0x2d: {  	[sflag:s16] =	ssyncset.done $0x0  }
0x2e: {  	[sflag:s16] =	ssyncadd.s32 $0xFFFFE000  }
0x2f: {  	_ =	swait.ge [sflag:s17], $0x2000  }
0x30: {  	[sflag:s17] =	ssyncset.done $0x0  }
0x31: {  	[sflag:s17] =	ssyncadd.s32 $0xFFFFE000  }
0x32: {  	_ =	swait.ge [sflag:s23], $0x2000  }
0x33: {  	[sflag:s23] =	ssyncset.done $0x0  }
0x34: {  	[sflag:s23] =	ssyncadd.s32 $0xFFFFE000  }
0x35: {  	_ =	swait.ge [sflag:s24], $0x2000  }
0x36: {  	s26 =	rddreg [dreg:$0x11]  }
0x37: {  	s3 =	rddreg [dreg:$0x6];
	s26 =	sadd.s32 $0x1, s26  }
0x38: {  	p0 =	sne.s32 s26, s3  }
.Ltmp1:
0x39: {  	_ = 	snop;
	(pc) =	sbr.rel @!p0 .LBB2_5-.Ltmp1, $4  }
0x3a: {  	s18 =	simm.s32 $0x1C00;
	s20 =	simm.s32 $0x3C00  }
0x3b: {  	s28 =	simm.s32 $0x5C00;
	s0 =	simm.s32 $0x7C00;
	s2 =	simm.s32 $0x9C00  }
0x3c: {  	s19 =	simm.s32 $0xBC00;
	s25 =	simm.s32 $0xDC00;
	[sflag:s24] =	ssyncset.done $0x0  }
0x3d: {  	s30 =	simm.s32 $0xFC00;
	s31 =	simm.s32 $0x11C00;
	[sflag:s24] =	ssyncadd.s32 $0xFFFFE000  }
.LBB2_1:
0x3e: {  	[dreg:$0x11] =	wrdreg s26  }
0x3f: {  	s3 =	rddreg [dreg:$0x4];
	s26 =	simm.s32 $0x400;
	s29 =	simm.s32 $0x8000  }
0x40: {  	[tilespmem:s4], [sflag:$0x15] =	stream.strided.gather [hbm4b:s3+s26], $0x1800, s29, s26, $0x38;
	[tilespmem:$0x15C00] =	vst v63  }
0x41: {  	s3 =	rddreg [dreg:$0x5];
	s26 =	simm.s32 $0x1800  }
0x42: {  	[tilespmem:s26], [sflag:$0x15] =	stream.linear.gather [hbm4b:s3+s4], $0x100, $0x38;
	[tilespmem:$0x15C00] =	vst v63  }
0x43: {  	s26 =	simm.s32 $0x15  }
0x44: {  	_ =	swait.ge [sflag:s26], $0x1900  }
0x45: {  	[sflag:s26] =	ssyncset.done $0x0  }
0x46: {  	[sflag:s26] =	ssyncadd.s32 $0xFFFFE700  }
0x47: {  	[tilespmem:s18], [sflag:$0x1] =	stream.indirect.gather [hbm4b:s1+s22], $0x80, s4, s22, $0xb8;
	[tilespmem:$0x15C00] =	vst v63  }
0x48: {  	_ = 	snop  }
0x49: {  	[tilespmem:s20], [sflag:$0x2] =	stream.indirect.gather [hbm4b:s1+s22], $0x80, s22, s22, $0xb8;
	[tilespmem:$0x15C00] =	vst v63  }
0x4a: {  	s20 =	simm.s32 $0x80  }
0x4b: {  	[tilespmem:s28], [sflag:$0x3] =	stream.indirect.gather [hbm4b:s1+s22], $0x80, s20, s22, $0xb8;
	[tilespmem:$0x15C00] =	vst v63  }
0x4c: {  	s26 =	simm.s32 $0xC0  }
0x4d: {  	[tilespmem:s0], [sflag:$0x4] =	stream.indirect.gather [hbm4b:s1+s22], $0x80, s26, s22, $0xb8;
	[tilespmem:$0x15C00] =	vst v63  }
0x4e: {  	s3 =	simm.s32 $0x100  }
0x4f: {  	[tilespmem:s2], [sflag:$0x5] =	stream.indirect.gather [hbm4b:s1+s22], $0x80, s3, s22, $0xb8;
	[tilespmem:$0x15C00] =	vst v63  }
0x50: {  	s18 =	simm.s32 $0x140  }
0x51: {  	[tilespmem:s19], [sflag:$0x6] =	stream.indirect.gather [hbm4b:s1+s22], $0x80, s18, s22, $0xb8;
	[tilespmem:$0x15C00] =	vst v63  }
0x52: {  	s29 =	simm.s32 $0x0;
	s20 =	simm.s32 $0x1C0;
	s19 =	simm.s32 $0x180  }
0x53: {  	[tilespmem:s25], [sflag:$0x7] =	stream.indirect.gather [hbm4b:s1+s22], $0x80, s19, s22, $0xb8;
	[tilespmem:$0x15C00] =	vst v63  }
0x54: {  	s28 =	simm.s32 $0x5C00;
	s26 =	simm.s32 $0x240;
	s0 =	simm.s32 $0x7C00  }
0x55: {  	[tilespmem:s30], [sflag:$0x8] =	stream.indirect.gather [hbm4b:s1+s22], $0x80, s20, s22, $0xb8;
	[tilespmem:$0x15C00] =	vst v63  }
0x56: {  	s2 =	simm.s32 $0x9C00;
	s18 =	simm.s32 $0x11C00;
	s25 =	simm.s32 $0x200  }
0x57: {  	[tilespmem:s31], [sflag:$0x9] =	stream.indirect.gather [hbm4b:s1+s22], $0x80, s25, s22, $0xb8;
	[tilespmem:$0x15C00] =	vst v63  }
0x58: {  	s19 =	simm.s32 $0xBC00;
	s20 =	simm.s32 $0x3C00;
	s31 =	simm.s32 $0x13C00  }
0x59: {  	[tilespmem:s31], [sflag:$0xA] =	stream.indirect.gather [hbm4b:s1+s22], $0x80, s26, s22, $0xb8;
	[tilespmem:$0x15C00] =	vst v63  }
0x5a: {  	s30 =	simm.s32 $0xFC00;
	s25 =	simm.s32 $0xDC00;
	s26 =	rddreg [dreg:$0x2]  }
.LBB2_2:
0x5b: {  	s3 =	simm.s32 $0x1  }
0x5c: {  	_ =	swait.ge [sflag:s3], $0x2000  }
0x5d: {  	[sflag:s3] =	ssyncset.done $0x0;
	s31 =	rddreg [dreg:$0x10]  }
0x5e: {  	[sflag:s3] =	ssyncadd.s32 $0xFFFFE000;
	s31 =	sadd.s32 s26, s31;
	s3 =	simm.s32 $0x1C00  }
0x5f: {  	[hbm4b:s31+s4] =	stream.linear.scatter [tilespmem:s3], [sflag:$0xB], $0x2000, $0x38;
	[tilespmem:$0x15C00] =	vst v63  }
0x60: {  	s31 =	simm.s32 $0x2  }
0x61: {  	_ =	swait.ge [sflag:s31], $0x2000  }
0x62: {  	[sflag:s31] =	ssyncset.done $0x0  }
0x63: {  	[sflag:s31] =	ssyncadd.s32 $0xFFFFE000;
	s31 =	rddreg [dreg:$0xf]  }
0x64: {  	s3 =	sadd.s32 s26, s31  }
0x65: {  	[hbm4b:s3+s4] =	stream.linear.scatter [tilespmem:s20], [sflag:$0xC], $0x2000, $0x38;
	[tilespmem:$0x15C00] =	vst v63  }
0x66: {  	s20 =	simm.s32 $0x3  }
0x67: {  	_ =	swait.ge [sflag:s20], $0x2000  }
0x68: {  	[sflag:s20] =	ssyncset.done $0x0;
	s31 =	rddreg [dreg:$0xe]  }
0x69: {  	[sflag:s20] =	ssyncadd.s32 $0xFFFFE000;
	s3 =	sadd.s32 s26, s31;
	s20 =	simm.s32 $0x4  }
0x6a: {  	[hbm4b:s3+s4] =	stream.linear.scatter [tilespmem:s28], [sflag:$0xD], $0x2000, $0x38;
	[tilespmem:$0x15C00] =	vst v63  }
0x6b: {  	_ =	swait.ge [sflag:s20], $0x2000  }
0x6c: {  	[sflag:s20] =	ssyncset.done $0x0;
	s31 =	rddreg [dreg:$0xd]  }
0x6d: {  	[sflag:s20] =	ssyncadd.s32 $0xFFFFE000;
	s20 =	sadd.s32 s26, s31  }
0x6e: {  	[hbm4b:s20+s4] =	stream.linear.scatter [tilespmem:s0], [sflag:$0xE], $0x2000, $0x38;
	[tilespmem:$0x15C00] =	vst v63  }
0x6f: {  	_ =	swait.ge [sflag:s6], $0x2000  }
0x70: {  	[sflag:s6] =	ssyncset.done $0x0;
	s31 =	rddreg [dreg:$0xc]  }
0x71: {  	[sflag:s6] =	ssyncadd.s32 $0xFFFFE000;
	s20 =	sadd.s32 s26, s31  }
0x72: {  	[hbm4b:s20+s4] =	stream.linear.scatter [tilespmem:s2], [sflag:$0xF], $0x2000, $0x38;
	[tilespmem:$0x15C00] =	vst v63  }
0x73: {  	_ =	swait.ge [sflag:s7], $0x2000  }
0x74: {  	[sflag:s7] =	ssyncset.done $0x0;
	s31 =	rddreg [dreg:$0xb]  }
0x75: {  	[sflag:s7] =	ssyncadd.s32 $0xFFFFE000;
	s20 =	sadd.s32 s26, s31  }
0x76: {  	[hbm4b:s20+s4] =	stream.linear.scatter [tilespmem:s19], [sflag:$0x10], $0x2000, $0x38;
	[tilespmem:$0x15C00] =	vst v63  }
0x77: {  	_ =	swait.ge [sflag:s5], $0x2000  }
0x78: {  	[sflag:s5] =	ssyncset.done $0x0;
	s31 =	rddreg [dreg:$0xa]  }
0x79: {  	[sflag:s5] =	ssyncadd.s32 $0xFFFFE000;
	s20 =	sadd.s32 s26, s31  }
0x7a: {  	[hbm4b:s20+s4] =	stream.linear.scatter [tilespmem:s25], [sflag:$0x11], $0x2000, $0x38;
	[tilespmem:$0x15C00] =	vst v63  }
0x7b: {  	_ =	swait.ge [sflag:s21], $0x2000  }
0x7c: {  	[sflag:s21] =	ssyncset.done $0x0;
	s31 =	rddreg [dreg:$0x9]  }
0x7d: {  	[sflag:s21] =	ssyncadd.s32 $0xFFFFE000;
	s20 =	sadd.s32 s26, s31  }
0x7e: {  	[hbm4b:s20+s4] =	stream.linear.scatter [tilespmem:s30], [sflag:$0x12], $0x2000, $0x38;
	[tilespmem:$0x15C00] =	vst v63  }
0x7f: {  	_ =	swait.ge [sflag:s8], $0x2000  }
0x80: {  	[sflag:s8] =	ssyncset.done $0x0;
	s31 =	rddreg [dreg:$0x8]  }
0x81: {  	[sflag:s8] =	ssyncadd.s32 $0xFFFFE000;
	s20 =	sadd.s32 s26, s31  }
0x82: {  	[hbm4b:s20+s4] =	stream.linear.scatter [tilespmem:s18], [sflag:$0x13], $0x2000, $0x38;
	[tilespmem:$0x15C00] =	vst v63  }
0x83: {  	p0 =	seq.s32 s29, $0x5A00;
	_ =	swait.ge [sflag:s9], $0x2000  }
0x84: {  	s20 =	simm.s32 $0x13C00;
	[sflag:s9] =	ssyncset.done $0x0;
	s31 =	rddreg [dreg:$0x7]  }
.Ltmp2:
0x85: {  	[sflag:s9] =	ssyncadd.s32 $0xFFFFE000;
	s3 =	sadd.s32 s26, s31;
	(pc) =	sbr.rel @p0 .LBB2_4-.Ltmp2, $4  }
0x86: {  	[hbm4b:s3+s4] =	stream.linear.scatter [tilespmem:s20], [sflag:$0x14], $0x2000, $0x38;
	[tilespmem:$0x15C00] =	vst v63  }
0x87: {  	_ =	swait.ge [sflag:s10], $0x2000  }
0x88: {  	[sflag:s10] =	ssyncset.done $0x0  }
0x89: {  	[sflag:s10] =	ssyncadd.s32 $0xFFFFE000  }
0x8a: {  	s31 =	sshra.s32 s29, $0x2  }
0x8b: {  	s20 =	simm.s32 $0x1C00;
	s3 =	sadd.s32 $0x280, s31  }
0x8c: {  	[tilespmem:s20], [sflag:$0x1] =	stream.indirect.gather [hbm4b:s1+s22], $0x80, s3, s22, $0xb8;
	[tilespmem:$0x15C00] =	vst v63  }
0x8d: {  	_ =	swait.ge [sflag:s11], $0x2000  }
0x8e: {  	[sflag:s11] =	ssyncset.done $0x0  }
0x8f: {  	s20 =	simm.s32 $0x3C00;
	s3 =	sadd.s32 $0x2C0, s31;
	[sflag:s11] =	ssyncadd.s32 $0xFFFFE000  }
0x90: {  	[tilespmem:s20], [sflag:$0x2] =	stream.indirect.gather [hbm4b:s1+s22], $0x80, s3, s22, $0xb8;
	[tilespmem:$0x15C00] =	vst v63  }
0x91: {  	_ =	swait.ge [sflag:s12], $0x2000  }
0x92: {  	[sflag:s12] =	ssyncset.done $0x0  }
0x93: {  	s3 =	sadd.s32 $0x300, s31;
	[sflag:s12] =	ssyncadd.s32 $0xFFFFE000  }
0x94: {  	[tilespmem:s28], [sflag:$0x3] =	stream.indirect.gather [hbm4b:s1+s22], $0x80, s3, s22, $0xb8;
	[tilespmem:$0x15C00] =	vst v63  }
0x95: {  	_ =	swait.ge [sflag:s13], $0x2000  }
0x96: {  	[sflag:s13] =	ssyncset.done $0x0  }
0x97: {  	s3 =	sadd.s32 $0x340, s31;
	[sflag:s13] =	ssyncadd.s32 $0xFFFFE000  }
0x98: {  	[tilespmem:s0], [sflag:$0x4] =	stream.indirect.gather [hbm4b:s1+s22], $0x80, s3, s22, $0xb8;
	[tilespmem:$0x15C00] =	vst v63  }
0x99: {  	_ =	swait.ge [sflag:s14], $0x2000  }
0x9a: {  	[sflag:s14] =	ssyncset.done $0x0  }
0x9b: {  	s3 =	sadd.s32 $0x380, s31;
	[sflag:s14] =	ssyncadd.s32 $0xFFFFE000  }
0x9c: {  	[tilespmem:s2], [sflag:$0x5] =	stream.indirect.gather [hbm4b:s1+s22], $0x80, s3, s22, $0xb8;
	[tilespmem:$0x15C00] =	vst v63  }
0x9d: {  	_ =	swait.ge [sflag:s15], $0x2000  }
0x9e: {  	[sflag:s15] =	ssyncset.done $0x0  }
0x9f: {  	s3 =	sadd.s32 $0x3C0, s31;
	[sflag:s15] =	ssyncadd.s32 $0xFFFFE000  }
0xa0: {  	[tilespmem:s19], [sflag:$0x6] =	stream.indirect.gather [hbm4b:s1+s22], $0x80, s3, s22, $0xb8;
	[tilespmem:$0x15C00] =	vst v63  }
0xa1: {  	_ =	swait.ge [sflag:s16], $0x2000  }
0xa2: {  	[sflag:s16] =	ssyncset.done $0x0  }
0xa3: {  	s3 =	sadd.s32 $0x400, s31;
	[sflag:s16] =	ssyncadd.s32 $0xFFFFE000  }
0xa4: {  	[tilespmem:s25], [sflag:$0x7] =	stream.indirect.gather [hbm4b:s1+s22], $0x80, s3, s22, $0xb8;
	[tilespmem:$0x15C00] =	vst v63  }
0xa5: {  	_ =	swait.ge [sflag:s17], $0x2000  }
0xa6: {  	[sflag:s17] =	ssyncset.done $0x0  }
0xa7: {  	s3 =	sadd.s32 $0x440, s31;
	[sflag:s17] =	ssyncadd.s32 $0xFFFFE000  }
0xa8: {  	[tilespmem:s30], [sflag:$0x8] =	stream.indirect.gather [hbm4b:s1+s22], $0x80, s3, s22, $0xb8;
	[tilespmem:$0x15C00] =	vst v63  }
0xa9: {  	_ =	swait.ge [sflag:s23], $0x2000  }
0xaa: {  	[sflag:s23] =	ssyncset.done $0x0  }
0xab: {  	s3 =	sadd.s32 $0x480, s31;
	[sflag:s23] =	ssyncadd.s32 $0xFFFFE000  }
0xac: {  	[tilespmem:s18], [sflag:$0x9] =	stream.indirect.gather [hbm4b:s1+s22], $0x80, s3, s22, $0xb8;
	[tilespmem:$0x15C00] =	vst v63  }
.Ltmp3:
0xad: {  	_ = 	snop;
	(pc) =	sbr.rel .LBB2_2-.Ltmp3, $4  }
0xae: {  	_ =	swait.ge [sflag:s24], $0x2000  }
0xaf: {  	s29 =	sadd.s32 $0xA00, s29;
	s26 =	sadd.s32 $0x50000, s26;
	[sflag:s24] =	ssyncset.done $0x0  }
0xb0: {  	s3 =	sadd.s32 $0x4C0, s31;
	s31 =	simm.s32 $0x13C00;
	[sflag:s24] =	ssyncadd.s32 $0xFFFFE000  }
0xb1: {  	[tilespmem:s31], [sflag:$0xA] =	stream.indirect.gather [hbm4b:s1+s22], $0x80, s3, s22, $0xb8;
	[tilespmem:$0x15C00] =	vst v63  }
.LBB2_5:
0xb2: {  	_ =	sfence.sel $0x180000  }
0xb3: {  	[bflag:$0x0] =	sbarrier.arrive $0xFFFF  }
0xb4: {  	_ =	strace $0x90000047  }
0xb5: {  	s0 =	stileid.u32;
	[bflag:$0x2] =	sbarrier.arrive $0xFFFF  }
0xb6: {  	p0 =	sne.s32 s0, $0x0;
	s0 =	rddreg [dreg:$0x3]  }
0xb7: {  	s0 =	sadd.s32 @!p0 $0x100000, s0  }
0xb8: {  	[sflag:s0] =	ssyncadd.tile.s32 @!p0 $0x1;
	_ =	shalt  }
.Lfunc_end2:
_tile_overlayer_lowered:
.L_overlay_start_2:
0xb9: {  	(tag) =	ssettag $0x2  }
0xba: {  	s0 =	rddreg [dreg:$0x0];
	s2 =	stileid.u32  }
0xbb: {  	s1 =	rddreg [dreg:$0x1];
	p0 =	sne.s32 s2, $0x0  }
0xbc: {  	s3 =	rddreg [dreg:$0x2];
	[bflag:$0x3] =	sbarrier.arrive $0xFFFF;
	s2 =	simm.s32 @!p0 $0x1C15  }
0xbd: {  	[timem:s3], [sflag:s2] =	dma.local @!p0 [hbm:s0], s1  }
0xbe: {  	s0 =	simm.s32 @!p0 $0x15  }
0xbf: {  	_ =	swait.ge @!p0 [sflag:s0], s1  }
0xc0: {  	s1 =	ssub.s32 @!p0 $0x0, s1;
	[sflag:s0] =	ssyncset.done @!p0 $0x0  }
0xc1: {  	[sflag:s0] =	ssyncadd.s32 @!p0 s1  }
0xc2: {  	[bflag:$0x3] =	sbarrier.arrive $0xFFFF  }
0xc3: {  	_ =	shalt  }

</sc_bundles>
